<compile_context>
chip_gen: v7x
topology: tpu7x:2x2x1
jax: 0.10.2.dev20260603
libtpu: 0.0.44.dev20260713+nightly
codegen_flags: <defaults>
</compile_context>

<pallas_src>
import jax
import jax.numpy as jnp
from jax import lax
from jax.experimental import pallas as pl
from jax.experimental.pallas import tpu as pltpu
from jax.experimental.pallas import tpu_sc as plsc

F32 = jnp.float32

_CH = 80
_RB = 400
_RCH = _RB // _CH
_L = 16


def _pt_body(xvt_ref, wav_ref, pt_ref):
    ptv = jnp.dot(wav_ref[...], xvt_ref[...], preferred_element_type=F32)
    npad2 = pt_ref.shape[1] - ptv.shape[1]
    pt_ref[...] = jnp.concatenate(
        [ptv, jnp.zeros((ptv.shape[0], npad2), F32)], axis=1)


def _zt_body(xat_ref, waa_ref, baa_ref, zt_ref):
    zt_ref[...] = jnp.dot(waa_ref[...], xat_ref[...], preferred_element_type=F32) + baa_ref[...]


def _edge_fold_body(xa8_ref, w8e_ref, r8_ref, y8_ref, xr8_ref):
    xa8 = xa8_ref[...]
    ex = jnp.exp(jnp.dot(xa8, w8e_ref[...], preferred_element_type=F32))
    xr = jnp.dot(ex, r8_ref[...], preferred_element_type=F32)
    xr8_ref[...] = xr
    y8_ref[...] = xr * xa8


def _finalize_body(t_ref, d_ref, xv_ref, wvvt_ref, bvv_ref, wvat_ref, hv_ref):
    t = t_ref[0] + t_ref[1]
    den = d_ref[0] + d_ref[1]
    s = jnp.where(den > 0.0, t / den, 0.0)
    hself = jnp.dot(xv_ref[...], wvvt_ref[...], preferred_element_type=F32) + bvv_ref[...]
    hv_ref[...] = hself + jnp.dot(s, wvat_ref[...], preferred_element_type=F32)


def _sc_gather_body(ns, nct, ncoltiles,
                    pt_h, zt4_h, src_h, dst_h,
                    hat4_out,
                    idxs, idxd, eidxs, eidxd, prow, zbuf, obuf, ebuf,
                    semp, semz, semo0, semo1):
    c = lax.axis_index("c")
    s = lax.axis_index("s")
    w = c * ns + s
    nw = 2 * ns
    nrem = ncoltiles - nct * nw
    ct0 = nrem + nct * w
    e0w = ct0 * 128
    epw = nct * 128

    pltpu.sync_copy(src_h.at[pl.ds(e0w, epw)], idxs)
    pltpu.sync_copy(dst_h.at[pl.ds(e0w, epw)], idxd)

    @pl.when(w < nrem)
    def _stage_extra():
        pltpu.sync_copy(src_h.at[pl.ds(w * 128, 128)], eidxs)
        pltpu.sync_copy(dst_h.at[pl.ds(w * 128, 128)], eidxd)

    pltpu.async_copy(pt_h.at[0], prow.at[0], semp)
    pltpu.async_copy(zt4_h.at[0, pl.ds(ct0, nct), 0, :], zbuf.at[0], semz)

    def body(i, carry):
        f = i // nct
        g = i % nct
        b = f % 2
        fb = f // 8
        fr = f % 8

        @pl.when(g == 0)
        def _load():
            pltpu.make_async_copy(pt_h.at[f], prow.at[b], semp).wait()
            pltpu.make_async_copy(
                zt4_h.at[fb, pl.ds(ct0, nct), fr, :], zbuf.at[b], semz).wait()

            @pl.when(f + 1 < _L)
            def _prefetch():
                f1 = f + 1
                pltpu.async_copy(pt_h.at[f1], prow.at[1 - b], semp)
                pltpu.async_copy(
                    zt4_h.at[f1 // 8, pl.ds(ct0, nct), f1 % 8, :], zbuf.at[1 - b], semz)

            @pl.when(f >= 2)
            def _drain():
                f2 = f - 2

                @pl.when(b == 0)
                def _d0():
                    pltpu.make_async_copy(
                        obuf.at[0], hat4_out.at[f2 // 8, pl.ds(ct0, nct), f2 % 8, :],
                        semo0).wait()

                @pl.when(b == 1)
                def _d1():
                    pltpu.make_async_copy(
                        obuf.at[1], hat4_out.at[f2 // 8, pl.ds(ct0, nct), f2 % 8, :],
                        semo1).wait()

        for u in range(8):
            o = g * 128 + u * _L
            s16 = idxs[pl.ds(o, _L)]
            d16 = idxd[pl.ds(o, _L)]
            obuf[b, g, pl.ds(u * _L, _L)] = (zbuf[b, g, pl.ds(u * _L, _L)]
                                             + plsc.load_gather(prow.at[b], [s16])
                                             + plsc.load_gather(prow.at[b], [d16]))

        @pl.when(g == nct - 1)
        def _tail():
            @pl.when(w < nrem)
            def _extra():
                pltpu.sync_copy(zt4_h.at[fb, w, fr, :], ebuf)
                for u in range(8):
                    o = u * _L
                    es16 = eidxs[pl.ds(o, _L)]
                    ed16 = eidxd[pl.ds(o, _L)]
                    ebuf[pl.ds(o, _L)] = (ebuf[pl.ds(o, _L)]
                                          + plsc.load_gather(prow.at[b], [es16])
                                          + plsc.load_gather(prow.at[b], [ed16]))
                pltpu.sync_copy(ebuf, hat4_out.at[fb, w, fr, :])

            @pl.when(b == 0)
            def _f0():
                pltpu.async_copy(
                    obuf.at[0], hat4_out.at[fb, pl.ds(ct0, nct), fr, :], semo0)

            @pl.when(b == 1)
            def _f1():
                pltpu.async_copy(
                    obuf.at[1], hat4_out.at[fb, pl.ds(ct0, nct), fr, :], semo1)

        return carry

    lax.fori_loop(0, _L * nct, body, 0)
    f2 = _L - 2
    pltpu.make_async_copy(
        obuf.at[0], hat4_out.at[f2 // 8, pl.ds(ct0, nct), f2 % 8, :], semo0).wait()
    f3 = _L - 1
    pltpu.make_async_copy(
        obuf.at[1], hat4_out.at[f3 // 8, pl.ds(ct0, nct), f3 % 8, :], semo1).wait()


def _sc_scatter_body(ns, npt, nchunk, epw,
                     y_h, xr_h, dst_h, zrow_h,
                     t_out, d_out,
                     idxd, ybuf, xrbuf, wbuf, tsh, dsh, semy, semx):
    c = lax.axis_index("c")
    s = lax.axis_index("s")
    w = c * ns + s
    e0w = w * epw
    nrf = epw // _RB

    pltpu.sync_copy(dst_h.at[pl.ds(w * nchunk, nchunk), :], idxd)

    pltpu.sync_copy(zrow_h, wbuf)
    pltpu.sync_copy(wbuf, tsh.at[pl.ds(s * npt, npt), :])
    pltpu.sync_copy(wbuf, dsh.at[pl.ds(s * npt, npt), :])
    plsc.subcore_barrier()

    pltpu.async_copy(y_h.at[pl.ds(e0w, _RB), :], ybuf.at[0], semy)
    pltpu.async_copy(xr_h.at[pl.ds(e0w, _RB), :], xrbuf.at[0], semx)

    def p1(j, carry):
        blk = j // _RCH
        b = blk % 2

        @pl.when(j % _RCH == 0)
        def _refill():
            pltpu.make_async_copy(
                y_h.at[pl.ds(e0w + blk * _RB, _RB), :], ybuf.at[b], semy).wait()
            pltpu.make_async_copy(
                xr_h.at[pl.ds(e0w + blk * _RB, _RB), :], xrbuf.at[b], semx).wait()

            @pl.when(blk + 1 < nrf)
            def _prefetch():
                pltpu.async_copy(
                    y_h.at[pl.ds(e0w + (blk + 1) * _RB, _RB), :], ybuf.at[1 - b], semy)
                pltpu.async_copy(
                    xr_h.at[pl.ds(e0w + (blk + 1) * _RB, _RB), :], xrbuf.at[1 - b], semx)

        jj = j % _RCH
        pltpu.sync_copy(ybuf.at[b, pl.ds(jj * _CH, _CH), :], tsh.at[idxd.at[j]], add=True)
        pltpu.sync_copy(xrbuf.at[b, pl.ds(jj * _CH, _CH), :], dsh.at[idxd.at[j]], add=True)
        return carry

    lax.fori_loop(0, nchunk, p1, 0)
    plsc.subcore_barrier()

    pltpu.sync_copy(tsh.at[pl.ds(s * npt, npt), :], wbuf)
    pltpu.sync_copy(wbuf, t_out.at[c, pl.ds(s * npt, npt), :])
    pltpu.sync_copy(dsh.at[pl.ds(s * npt, npt), :], wbuf)
    pltpu.sync_copy(wbuf, d_out.at[c, pl.ds(s * npt, npt), :])


def kernel(x_v, x_a, arc_index, W_vv, b_vv, W_va, W_att, b_att, W_aa, b_aa, W_av):
    N, IN_V = x_v.shape
    E, IN_A = x_a.shape
    OUT_V = W_vv.shape[0]
    src = arc_index[0]
    dst = arc_index[1]

    info = plsc.get_sparse_core_info()
    nc, ns = info.num_cores, info.num_subcores
    nw = nc * ns
    epw = E // nw
    nchunk = epw // _CH
    npt = -(-N // (8 * ns)) * 8
    npad = npt * ns
    mesh_kw = dict(core_axis_name="c", subcore_axis_name="s")

    BN = 1000
    grid_n = N // BN
    pt = pl.pallas_call(
        _pt_body,
        out_shape=jax.ShapeDtypeStruct((IN_A, -(-N // 128) * 128), F32),
    )(x_v.T, W_av)

    BLE = 32000
    grid_z = E // BLE
    zt = pl.pallas_call(
        _zt_body,
        grid=(grid_z,),
        in_specs=[
            pl.BlockSpec((IN_A, BLE), lambda i: (0, i)),
            pl.BlockSpec((IN_A, IN_A), lambda i: (0, 0)),
            pl.BlockSpec((IN_A, 1), lambda i: (0, 0)),
        ],
        out_specs=pl.BlockSpec((IN_A, BLE), lambda i: (0, i)),
        out_shape=jax.ShapeDtypeStruct((IN_A, E), F32),
    )(x_a.T, W_aa, b_aa[:, None])

    ncoltiles = E // 128
    nct = ncoltiles // nw
    NP2 = -(-N // 128) * 128
    zt4 = zt.reshape(2, 8, ncoltiles, 128).transpose(0, 2, 1, 3)
    sc_gather = pl.kernel(
        lambda *refs: _sc_gather_body(ns, nct, ncoltiles, *refs),
        out_type=jax.ShapeDtypeStruct((2, ncoltiles, 8, 128), F32),
        mesh=plsc.VectorSubcoreMesh(**mesh_kw),
        compiler_params=pltpu.CompilerParams(use_tc_tiling_on_sc=False,
                                             needs_layout_passes=False),
        scratch_types=[
            pltpu.VMEM((nct * 128,), jnp.int32),
            pltpu.VMEM((nct * 128,), jnp.int32),
            pltpu.VMEM((128,), jnp.int32),
            pltpu.VMEM((128,), jnp.int32),
            pltpu.VMEM((2, NP2), F32),
            pltpu.VMEM((2, nct, 128), F32),
            pltpu.VMEM((2, nct, 128), F32),
            pltpu.VMEM((128,), F32),
            pltpu.SemaphoreType.DMA,
            pltpu.SemaphoreType.DMA,
            pltpu.SemaphoreType.DMA,
            pltpu.SemaphoreType.DMA,
        ],
    )
    hat4 = sc_gather(pt, zt4, src, dst)
    h_a = hat4.transpose(0, 2, 1, 3).reshape(IN_A, E).T

    E8 = E // 8
    BE8 = 2000
    grid_e = E8 // BE8
    eye8 = jnp.eye(8, dtype=F32)
    w8e = jnp.kron(eye8, W_att.T)
    r8 = jnp.kron(eye8, jnp.ones((1, IN_A), F32))
    xa8 = x_a.reshape(E8, 8 * IN_A)
    y8, xr8 = pl.pallas_call(
        _edge_fold_body,
        grid=(grid_e,),
        in_specs=[
            pl.BlockSpec((BE8, 8 * IN_A), lambda i: (i, 0)),
            pl.BlockSpec((8 * IN_A, 8), lambda i: (0, 0)),
            pl.BlockSpec((8, 8 * IN_A), lambda i: (0, 0)),
        ],
        out_specs=[pl.BlockSpec((BE8, 8 * IN_A), lambda i: (i, 0))] * 2,
        out_shape=[jax.ShapeDtypeStruct((E8, 8 * IN_A), F32)] * 2,
    )(xa8, w8e, r8)

    sc_scatter = pl.kernel(
        lambda *refs: _sc_scatter_body(ns, npt, nchunk, epw, *refs),
        out_type=[
            jax.ShapeDtypeStruct((nc, npad, IN_A), F32),
            jax.ShapeDtypeStruct((nc, npad, IN_A), F32),
        ],
        mesh=plsc.VectorSubcoreMesh(**mesh_kw),
        compiler_params=pltpu.CompilerParams(use_tc_tiling_on_sc=False),
        scratch_types=[
            pltpu.VMEM((nchunk, _CH), jnp.int32),
            pltpu.VMEM((2, _RB, IN_A), F32),
            pltpu.VMEM((2, _RB, IN_A), F32),
            pltpu.VMEM((npt, IN_A), F32),
            pltpu.VMEM_SHARED((npad, IN_A), F32),
            pltpu.VMEM_SHARED((npad, IN_A), F32),
            pltpu.SemaphoreType.DMA,
            pltpu.SemaphoreType.DMA,
        ],
    )
    t_p, d_p = sc_scatter(
        y8.reshape(E, IN_A),
        xr8.reshape(E, IN_A),
        dst.reshape(E // _CH, _CH),
        jnp.zeros((npt, IN_A), F32),
    )

    h_v = pl.pallas_call(
        _finalize_body,
        grid=(grid_n,),
        in_specs=[
            pl.BlockSpec((nc, BN, IN_A), lambda i: (0, i, 0)),
            pl.BlockSpec((nc, BN, IN_A), lambda i: (0, i, 0)),
            pl.BlockSpec((BN, IN_V), lambda i: (i, 0)),
            pl.BlockSpec((IN_V, OUT_V), lambda i: (0, 0)),
            pl.BlockSpec((1, OUT_V), lambda i: (0, 0)),
            pl.BlockSpec((IN_A, OUT_V), lambda i: (0, 0)),
        ],
        out_specs=pl.BlockSpec((BN, OUT_V), lambda i: (i, 0)),
        out_shape=jax.ShapeDtypeStruct((N, OUT_V), F32),
    )(t_p, d_p, x_v, W_vv.T, b_vv[None, :], W_va.T)

    return (h_v, h_a)

# --- scband reference (transcript-rebuilt; emitter-appended) ---
"""Pipeline reference for scband-graph-layer-att-20263655702718 (READ-ONLY COPY).

The authoritative reference and input builder live on the scoring server;
editing this copy changes nothing except your own understanding.
"""

import jax, jax.numpy as jnp
import numpy as np

N = 10000
E = 320000
IN_V = 128
IN_A = 16
OUT_V = 128
OUT_A = 16


def _linear_init(key, out_f, in_f, bias=True):
    s = 1.0 / np.sqrt(in_f)
    kw, kb = jax.random.split(key)
    W = jax.random.uniform(kw, (out_f, in_f), minval=-s, maxval=s, dtype=jnp.float32)
    if bias:
        b = jax.random.uniform(kb, (out_f,), minval=-s, maxval=s, dtype=jnp.float32)
        return W, b
    return W, None


def setup_inputs(seed: int = 0) -> dict:
    key = jax.random.key(seed)
    ks = jax.random.split(key, 9)
    x_v = jax.random.normal(ks[0], (N, IN_V), dtype=jnp.float32)
    x_a = jax.random.normal(ks[1], (E, IN_A), dtype=jnp.float32)
    arc_index = jax.random.randint(ks[2], (2, E), 0, N, dtype=jnp.int32)
    W_vv, b_vv = _linear_init(ks[3], OUT_V, IN_V, bias=True)
    W_va, _ = _linear_init(ks[4], OUT_V, IN_A, bias=False)
    W_att, b_att = _linear_init(ks[5], 1, IN_A, bias=True)
    W_aa, b_aa = _linear_init(ks[6], OUT_A, IN_A, bias=True)
    W_av, _ = _linear_init(ks[7], OUT_A, IN_V, bias=False)
    return {"x_v": x_v, "x_a": x_a, "arc_index": arc_index,
            "W_vv": W_vv, "b_vv": b_vv, "W_va": W_va,
            "W_att": W_att, "b_att": b_att,
            "W_aa": W_aa, "b_aa": b_aa, "W_av": W_av}


def reference(x_v, x_a, arc_index, W_vv, b_vv, W_va, W_att, b_att, W_aa, b_aa, W_av):
    src = arc_index[0]
    dst = arc_index[1]
    num_nodes = x_v.shape[0]
    h_self = x_v @ W_vv.T + b_vv
    e = (x_a @ W_att.T + b_att)[:, 0]
    max_per_dst = jax.ops.segment_max(e, dst, num_segments=num_nodes)
    max_per_dst = jax.lax.stop_gradient(max_per_dst)
    exp_e = jnp.exp(e - max_per_dst[dst])
    denom = jax.ops.segment_sum(exp_e, dst, num_segments=num_nodes)
    attn = (exp_e / denom[dst])[:, None]
    msg_from_arcs = (x_a @ W_va.T) * attn
    h_msg = jax.ops.segment_sum(msg_from_arcs, dst, num_segments=num_nodes)
    h_v = h_msg + h_self
    h_a = (x_a @ W_aa.T + b_aa) + (x_v[src] @ W_av.T) + (x_v[dst] @ W_av.T)
    return (h_v, h_a)

if __name__ == "__main__":
    import jax
    _d = setup_inputs()
    print(jax.jit(kernel)(*tuple(_d.values())))

</pallas_src>

<mosaic_0001>
#map = affine_map<(d0, d1) -> (0, 0)>
#map1 = affine_map<(d0, d1) -> (0, 0, 0)>
module attributes {stable_mosaic.version = 14 : i64} {
  func.func @_lambda_(%arg0: i32, %arg1: i32, %arg2: memref<320000x16xf32, #tpu.memory_space<hbm>>, %arg3: memref<320000x16xf32, #tpu.memory_space<hbm>>, %arg4: memref<4000x80xi32, #tpu.memory_space<hbm>>, %arg5: memref<632x16xf32, #tpu.memory_space<hbm>>, %arg6: memref<2x10112x16xf32, #tpu.memory_space<hbm>>, %arg7: memref<2x10112x16xf32, #tpu.memory_space<hbm>>, %arg8: memref<125x80xi32, #tpu.memory_space<vmem>>, %arg9: memref<2x400x16xf32, #tpu.memory_space<vmem>>, %arg10: memref<2x400x16xf32, #tpu.memory_space<vmem>>, %arg11: memref<632x16xf32, #tpu.memory_space<vmem>>, %arg12: memref<10112x16xf32, #tpu.memory_space<vmem_shared>>, %arg13: memref<10112x16xf32, #tpu.memory_space<vmem_shared>>, %arg14: memref<!tpu.dma_semaphore, #tpu.memory_space<semaphore_mem>>, %arg15: memref<!tpu.dma_semaphore, #tpu.memory_space<semaphore_mem>>) attributes {dimension_semantics = [#tpu.dimension_semantics<core_parallel>, #tpu.dimension_semantics<subcore_parallel>], iteration_bounds = array<i64: 2, 16>, scalar_prefetch = 0 : i64, scratch_operands = 8 : i64, tpu.core_type = #tpu.core_type<sc_vector_subcore>, window_params = [{transform_indices = #map}, {transform_indices = #map}, {transform_indices = #map}, {transform_indices = #map}, {transform_indices = #map1}, {transform_indices = #map1}]} {
    %mul3A = arith.constant 16 : i32
    %mul3A_0 = arith.muli %arg0, %mul3A : i32
    %add3A = arith.addi %mul3A_0, %arg1 : i32
    %mul3A_1 = arith.constant 10000 : i32
    %mul3A_2 = arith.muli %add3A, %mul3A_1 : i32
    %mul3A_3 = arith.constant 125 : i32
    %mul3A_4 = arith.muli %add3A, %mul3A_3 : i32
    "tpu.region"() ({
      %run_scoped3A = tpu.sem_alloc : memref<!tpu.dma_semaphore, #tpu.memory_space<semaphore_mem>>
      %dma_start3A_48 = arith.constant 0 : i32
      %dma_start3A_49 = tpu.memref_slice %arg4[%mul3A_4, %dma_start3A_48] : memref<4000x80xi32, #tpu.memory_space<hbm>> -> memref<125x80xi32, #tpu.memory_space<hbm>>
      %dma_start3A_50 = arith.constant 0 : i32
      %dma_start3A_51 = tpu.memref_slice %arg4[%mul3A_4, %dma_start3A_50] : memref<4000x80xi32, #tpu.memory_space<hbm>> -> memref<125x80xi32, #tpu.memory_space<hbm>>
      tpu.enqueue_dma source(%dma_start3A_51 : memref<125x80xi32, #tpu.memory_space<hbm>>) target(%arg8 : memref<125x80xi32, #tpu.memory_space<vmem>>) target_semaphore(%run_scoped3A : memref<!tpu.dma_semaphore, #tpu.memory_space<semaphore_mem>>)
      %dma_wait3A = arith.constant 0 : i32
      %dma_wait3A_52 = tpu.memref_slice %arg4[%mul3A_4, %dma_wait3A] : memref<4000x80xi32, #tpu.memory_space<hbm>> -> memref<125x80xi32, #tpu.memory_space<hbm>>
      %dma_wait3A_53 = arith.constant 0 : i32
      %dma_wait3A_54 = tpu.memref_slice %arg4[%mul3A_4, %dma_wait3A_53] : memref<4000x80xi32, #tpu.memory_space<hbm>> -> memref<125x80xi32, #tpu.memory_space<hbm>>
      tpu.wait_dma2 semaphore(%run_scoped3A : memref<!tpu.dma_semaphore, #tpu.memory_space<semaphore_mem>>) src(%dma_wait3A_54 : memref<125x80xi32, #tpu.memory_space<hbm>>) dst(%arg8 : memref<125x80xi32, #tpu.memory_space<vmem>>)
      tpu.yield
    }) : () -> ()
    "tpu.region"() ({
      %run_scoped3A = tpu.sem_alloc : memref<!tpu.dma_semaphore, #tpu.memory_space<semaphore_mem>>
      tpu.enqueue_dma source(%arg5 : memref<632x16xf32, #tpu.memory_space<hbm>>) target(%arg11 : memref<632x16xf32, #tpu.memory_space<vmem>>) target_semaphore(%run_scoped3A : memref<!tpu.dma_semaphore, #tpu.memory_space<semaphore_mem>>)
      tpu.wait_dma2 semaphore(%run_scoped3A : memref<!tpu.dma_semaphore, #tpu.memory_space<semaphore_mem>>) src(%arg5 : memref<632x16xf32, #tpu.memory_space<hbm>>) dst(%arg11 : memref<632x16xf32, #tpu.memory_space<vmem>>)
      tpu.yield
    }) : () -> ()
    %mul3A_5 = arith.constant 632 : i32
    %mul3A_6 = arith.muli %arg1, %mul3A_5 : i32
    "tpu.region"() ({
      %run_scoped3A = tpu.sem_alloc : memref<!tpu.dma_semaphore, #tpu.memory_space<semaphore_mem>>
      %dma_start3A_48 = arith.constant 0 : i32
      %dma_start3A_49 = tpu.memref_slice %arg12[%mul3A_6, %dma_start3A_48] : memref<10112x16xf32, #tpu.memory_space<vmem_shared>> -> memref<632x16xf32, #tpu.memory_space<vmem_shared>>
      %dma_start3A_50 = arith.constant 0 : i32
      %dma_start3A_51 = tpu.memref_slice %arg12[%mul3A_6, %dma_start3A_50] : memref<10112x16xf32, #tpu.memory_space<vmem_shared>> -> memref<632x16xf32, #tpu.memory_space<vmem_shared>>
      tpu.enqueue_dma source(%arg11 : memref<632x16xf32, #tpu.memory_space<vmem>>) target(%dma_start3A_51 : memref<632x16xf32, #tpu.memory_space<vmem_shared>>) target_semaphore(%run_scoped3A : memref<!tpu.dma_semaphore, #tpu.memory_space<semaphore_mem>>)
      %dma_wait3A = arith.constant 0 : i32
      %dma_wait3A_52 = tpu.memref_slice %arg12[%mul3A_6, %dma_wait3A] : memref<10112x16xf32, #tpu.memory_space<vmem_shared>> -> memref<632x16xf32, #tpu.memory_space<vmem_shared>>
      %dma_wait3A_53 = arith.constant 0 : i32
      %dma_wait3A_54 = tpu.memref_slice %arg12[%mul3A_6, %dma_wait3A_53] : memref<10112x16xf32, #tpu.memory_space<vmem_shared>> -> memref<632x16xf32, #tpu.memory_space<vmem_shared>>
      tpu.wait_dma2 semaphore(%run_scoped3A : memref<!tpu.dma_semaphore, #tpu.memory_space<semaphore_mem>>) src(%arg11 : memref<632x16xf32, #tpu.memory_space<vmem>>) dst(%dma_wait3A_54 : memref<632x16xf32, #tpu.memory_space<vmem_shared>>)
      tpu.yield
    }) : () -> ()
    %mul3A_7 = arith.constant 632 : i32
    %mul3A_8 = arith.muli %arg1, %mul3A_7 : i32
    "tpu.region"() ({
      %run_scoped3A = tpu.sem_alloc : memref<!tpu.dma_semaphore, #tpu.memory_space<semaphore_mem>>
      %dma_start3A_48 = arith.constant 0 : i32
      %dma_start3A_49 = tpu.memref_slice %arg13[%mul3A_8, %dma_start3A_48] : memref<10112x16xf32, #tpu.memory_space<vmem_shared>> -> memref<632x16xf32, #tpu.memory_space<vmem_shared>>
      %dma_start3A_50 = arith.constant 0 : i32
      %dma_start3A_51 = tpu.memref_slice %arg13[%mul3A_8, %dma_start3A_50] : memref<10112x16xf32, #tpu.memory_space<vmem_shared>> -> memref<632x16xf32, #tpu.memory_space<vmem_shared>>
      tpu.enqueue_dma source(%arg11 : memref<632x16xf32, #tpu.memory_space<vmem>>) target(%dma_start3A_51 : memref<632x16xf32, #tpu.memory_space<vmem_shared>>) target_semaphore(%run_scoped3A : memref<!tpu.dma_semaphore, #tpu.memory_space<semaphore_mem>>)
      %dma_wait3A = arith.constant 0 : i32
      %dma_wait3A_52 = tpu.memref_slice %arg13[%mul3A_8, %dma_wait3A] : memref<10112x16xf32, #tpu.memory_space<vmem_shared>> -> memref<632x16xf32, #tpu.memory_space<vmem_shared>>
      %dma_wait3A_53 = arith.constant 0 : i32
      %dma_wait3A_54 = tpu.memref_slice %arg13[%mul3A_8, %dma_wait3A_53] : memref<10112x16xf32, #tpu.memory_space<vmem_shared>> -> memref<632x16xf32, #tpu.memory_space<vmem_shared>>
      tpu.wait_dma2 semaphore(%run_scoped3A : memref<!tpu.dma_semaphore, #tpu.memory_space<semaphore_mem>>) src(%arg11 : memref<632x16xf32, #tpu.memory_space<vmem>>) dst(%dma_wait3A_54 : memref<632x16xf32, #tpu.memory_space<vmem_shared>>)
      tpu.yield
    }) : () -> ()
    %barrier3A = arith.constant 0 : index
    tpu.barrier barrier_id(%barrier3A)
    %dma_start3A = arith.constant 0 : i32
    %dma_start3A_9 = arith.constant 0 : i32
    %dma_start3A_10 = arith.constant 0 : i32
    %dma_start3A_11 = tpu.memref_slice %arg9[%dma_start3A, %dma_start3A_9, %dma_start3A_10] : memref<2x400x16xf32, #tpu.memory_space<vmem>> -> memref<1x400x16xf32, #tpu.memory_space<vmem>>
    %dma_start3A_12 = tpu.memref_squeeze %dma_start3A_11 : memref<1x400x16xf32, #tpu.memory_space<vmem>> -> memref<400x16xf32, #tpu.memory_space<vmem>>
    %dma_start3A_13 = arith.constant 0 : i32
    %dma_start3A_14 = tpu.memref_slice %arg2[%mul3A_2, %dma_start3A_13] : memref<320000x16xf32, #tpu.memory_space<hbm>> -> memref<400x16xf32, #tpu.memory_space<hbm>>
    %dma_start3A_15 = arith.constant 0 : i32
    %dma_start3A_16 = arith.constant 0 : i32
    %dma_start3A_17 = tpu.memref_slice %arg9[%dma_start3A, %dma_start3A_15, %dma_start3A_16] : memref<2x400x16xf32, #tpu.memory_space<vmem>> -> memref<1x400x16xf32, #tpu.memory_space<vmem>>
    %dma_start3A_18 = tpu.memref_squeeze %dma_start3A_17 : memref<1x400x16xf32, #tpu.memory_space<vmem>> -> memref<400x16xf32, #tpu.memory_space<vmem>>
    %dma_start3A_19 = arith.constant 0 : i32
    %dma_start3A_20 = tpu.memref_slice %arg2[%mul3A_2, %dma_start3A_19] : memref<320000x16xf32, #tpu.memory_space<hbm>> -> memref<400x16xf32, #tpu.memory_space<hbm>>
    tpu.enqueue_dma source(%dma_start3A_20 : memref<400x16xf32, #tpu.memory_space<hbm>>) target(%dma_start3A_18 : memref<400x16xf32, #tpu.memory_space<vmem>>) target_semaphore(%arg14 : memref<!tpu.dma_semaphore, #tpu.memory_space<semaphore_mem>>)
    %dma_start3A_21 = arith.constant 0 : i32
    %dma_start3A_22 = arith.constant 0 : i32
    %dma_start3A_23 = arith.constant 0 : i32
    %dma_start3A_24 = tpu.memref_slice %arg10[%dma_start3A_21, %dma_start3A_22, %dma_start3A_23] : memref<2x400x16xf32, #tpu.memory_space<vmem>> -> memref<1x400x16xf32, #tpu.memory_space<vmem>>
    %dma_start3A_25 = tpu.memref_squeeze %dma_start3A_24 : memref<1x400x16xf32, #tpu.memory_space<vmem>> -> memref<400x16xf32, #tpu.memory_space<vmem>>
    %dma_start3A_26 = arith.constant 0 : i32
    %dma_start3A_27 = tpu.memref_slice %arg3[%mul3A_2, %dma_start3A_26] : memref<320000x16xf32, #tpu.memory_space<hbm>> -> memref<400x16xf32, #tpu.memory_space<hbm>>
    %dma_start3A_28 = arith.constant 0 : i32
    %dma_start3A_29 = arith.constant 0 : i32
    %dma_start3A_30 = tpu.memref_slice %arg10[%dma_start3A_21, %dma_start3A_28, %dma_start3A_29] : memref<2x400x16xf32, #tpu.memory_space<vmem>> -> memref<1x400x16xf32, #tpu.memory_space<vmem>>
    %dma_start3A_31 = tpu.memref_squeeze %dma_start3A_30 : memref<1x400x16xf32, #tpu.memory_space<vmem>> -> memref<400x16xf32, #tpu.memory_space<vmem>>
    %dma_start3A_32 = arith.constant 0 : i32
    %dma_start3A_33 = tpu.memref_slice %arg3[%mul3A_2, %dma_start3A_32] : memref<320000x16xf32, #tpu.memory_space<hbm>> -> memref<400x16xf32, #tpu.memory_space<hbm>>
    tpu.enqueue_dma source(%dma_start3A_33 : memref<400x16xf32, #tpu.memory_space<hbm>>) target(%dma_start3A_31 : memref<400x16xf32, #tpu.memory_space<vmem>>) target_semaphore(%arg15 : memref<!tpu.dma_semaphore, #tpu.memory_space<semaphore_mem>>)
    %scan3A = arith.constant 0 : i32
    %scan3A_34 = arith.constant 0 : i32
    %scan3A_35 = arith.constant 125 : i32
    %scan3A_36 = arith.addi %scan3A_34, %scan3A_35 : i32
    %scan3A_37 = arith.constant 1 : i32
    scf.for %scan3A_48 = %scan3A_34 to %scan3A_36 step %scan3A_37  : i32 {
      %jit3A = arith.constant 5 : i32
      %div3A = arith.divsi %scan3A_48, %jit3A : i32
      %sign3A = arith.constant 0 : i32
      %sign3A_49 = arith.cmpi sgt, %scan3A_48, %sign3A : i32
      %sign3A_50 = arith.extui %sign3A_49 : i1 to i32
      %sign3A_51 = arith.constant 0 : i32
      %sign3A_52 = arith.cmpi slt, %scan3A_48, %sign3A_51 : i32
      %sign3A_53 = arith.extui %sign3A_52 : i1 to i32
      %sign3A_54 = arith.subi %sign3A_50, %sign3A_53 : i32
      %sign3A_55 = arith.constant 0 : i32
      %sign3A_56 = arith.cmpi sgt, %jit3A, %sign3A_55 : i32
      %sign3A_57 = arith.extui %sign3A_56 : i1 to i32
      %sign3A_58 = arith.constant 0 : i32
      %sign3A_59 = arith.cmpi slt, %jit3A, %sign3A_58 : i32
      %sign3A_60 = arith.extui %sign3A_59 : i1 to i32
      %sign3A_61 = arith.subi %sign3A_57, %sign3A_60 : i32
      %ne3A = arith.cmpi ne, %sign3A_54, %sign3A_61 : i32
      %rem3A = arith.remsi %scan3A_48, %jit3A : i32
      %ne3A_62 = arith.constant 0 : i32
      %ne3A_63 = arith.cmpi ne, %rem3A, %ne3A_62 : i32
      %and3A = arith.andi %ne3A, %ne3A_63 : i1
      %sub3A = arith.constant 1 : i32
      %sub3A_64 = arith.subi %div3A, %sub3A : i32
      %select_n3A = arith.select %and3A, %sub3A_64, %div3A : i32
      %jit3A_65 = arith.constant 2 : i32
      %eq3A = arith.constant 0 : i32
      %eq3A_66 = arith.cmpi eq, %jit3A_65, %eq3A : i32
      %jit3A_67 = arith.constant 1 : i32
      %select_n3A_68 = arith.select %eq3A_66, %jit3A_67, %jit3A_65 : i32
      %rem3A_69 = arith.remsi %select_n3A, %select_n3A_68 : i32
      %ne3A_70 = arith.constant 0 : i32
      %ne3A_71 = arith.cmpi ne, %rem3A_69, %ne3A_70 : i32
      %lt3A = arith.constant 0 : i32
      %lt3A_72 = arith.cmpi slt, %rem3A_69, %lt3A : i32
      %lt3A_73 = arith.constant 0 : i32
      %lt3A_74 = arith.cmpi slt, %select_n3A_68, %lt3A_73 : i32
      %ne3A_75 = arith.xori %lt3A_72, %lt3A_74 : i1
      %and3A_76 = arith.andi %ne3A_75, %ne3A_71 : i1
      %add3A_77 = arith.addi %rem3A_69, %select_n3A_68 : i32
      %select_n3A_78 = arith.select %and3A_76, %add3A_77, %rem3A_69 : i32
      %jit3A_79 = arith.constant 5 : i32
      %eq3A_80 = arith.constant 0 : i32
      %eq3A_81 = arith.cmpi eq, %jit3A_79, %eq3A_80 : i32
      %jit3A_82 = arith.constant 1 : i32
      %select_n3A_83 = arith.select %eq3A_81, %jit3A_82, %jit3A_79 : i32
      %rem3A_84 = arith.remsi %scan3A_48, %select_n3A_83 : i32
      %ne3A_85 = arith.constant 0 : i32
      %ne3A_86 = arith.cmpi ne, %rem3A_84, %ne3A_85 : i32
      %lt3A_87 = arith.constant 0 : i32
      %lt3A_88 = arith.cmpi slt, %rem3A_84, %lt3A_87 : i32
      %lt3A_89 = arith.constant 0 : i32
      %lt3A_90 = arith.cmpi slt, %select_n3A_83, %lt3A_89 : i32
      %ne3A_91 = arith.xori %lt3A_88, %lt3A_90 : i1
      %and3A_92 = arith.andi %ne3A_91, %ne3A_86 : i1
      %add3A_93 = arith.addi %rem3A_84, %select_n3A_83 : i32
      %select_n3A_94 = arith.select %and3A_92, %add3A_93, %rem3A_84 : i32
      %eq3A_95 = arith.constant 0 : i32
      %eq3A_96 = arith.cmpi eq, %select_n3A_94, %eq3A_95 : i32
      %convert_element_type3A = arith.extui %eq3A_96 : i1 to i32
      %cond3A = arith.constant 0 : i32
      %cond3A_97 = arith.cmpi ne, %convert_element_type3A, %cond3A : i32
      scf.if %cond3A_97 {
        %mul3A_118 = arith.constant 400 : i32
        %mul3A_119 = arith.muli %select_n3A, %mul3A_118 : i32
        %add3A_120 = arith.addi %mul3A_2, %mul3A_119 : i32
        %dma_wait3A = arith.constant 0 : i32
        %dma_wait3A_121 = arith.constant 0 : i32
        %dma_wait3A_122 = tpu.memref_slice %arg9[%select_n3A_78, %dma_wait3A, %dma_wait3A_121] : memref<2x400x16xf32, #tpu.memory_space<vmem>> -> memref<1x400x16xf32, #tpu.memory_space<vmem>>
        %dma_wait3A_123 = tpu.memref_squeeze %dma_wait3A_122 : memref<1x400x16xf32, #tpu.memory_space<vmem>> -> memref<400x16xf32, #tpu.memory_space<vmem>>
        %dma_wait3A_124 = arith.constant 0 : i32
        %dma_wait3A_125 = tpu.memref_slice %arg2[%add3A_120, %dma_wait3A_124] : memref<320000x16xf32, #tpu.memory_space<hbm>> -> memref<400x16xf32, #tpu.memory_space<hbm>>
        %dma_wait3A_126 = arith.constant 0 : i32
        %dma_wait3A_127 = arith.constant 0 : i32
        %dma_wait3A_128 = tpu.memref_slice %arg9[%select_n3A_78, %dma_wait3A_126, %dma_wait3A_127] : memref<2x400x16xf32, #tpu.memory_space<vmem>> -> memref<1x400x16xf32, #tpu.memory_space<vmem>>
        %dma_wait3A_129 = tpu.memref_squeeze %dma_wait3A_128 : memref<1x400x16xf32, #tpu.memory_space<vmem>> -> memref<400x16xf32, #tpu.memory_space<vmem>>
        %dma_wait3A_130 = arith.constant 0 : i32
        %dma_wait3A_131 = tpu.memref_slice %arg2[%add3A_120, %dma_wait3A_130] : memref<320000x16xf32, #tpu.memory_space<hbm>> -> memref<400x16xf32, #tpu.memory_space<hbm>>
        tpu.wait_dma2 semaphore(%arg14 : memref<!tpu.dma_semaphore, #tpu.memory_space<semaphore_mem>>) src(%dma_wait3A_131 : memref<400x16xf32, #tpu.memory_space<hbm>>) dst(%dma_wait3A_129 : memref<400x16xf32, #tpu.memory_space<vmem>>)
        %mul3A_132 = arith.constant 400 : i32
        %mul3A_133 = arith.muli %select_n3A, %mul3A_132 : i32
        %add3A_134 = arith.addi %mul3A_2, %mul3A_133 : i32
        %dma_wait3A_135 = arith.constant 0 : i32
        %dma_wait3A_136 = arith.constant 0 : i32
        %dma_wait3A_137 = tpu.memref_slice %arg10[%select_n3A_78, %dma_wait3A_135, %dma_wait3A_136] : memref<2x400x16xf32, #tpu.memory_space<vmem>> -> memref<1x400x16xf32, #tpu.memory_space<vmem>>
        %dma_wait3A_138 = tpu.memref_squeeze %dma_wait3A_137 : memref<1x400x16xf32, #tpu.memory_space<vmem>> -> memref<400x16xf32, #tpu.memory_space<vmem>>
        %dma_wait3A_139 = arith.constant 0 : i32
        %dma_wait3A_140 = tpu.memref_slice %arg3[%add3A_134, %dma_wait3A_139] : memref<320000x16xf32, #tpu.memory_space<hbm>> -> memref<400x16xf32, #tpu.memory_space<hbm>>
        %dma_wait3A_141 = arith.constant 0 : i32
        %dma_wait3A_142 = arith.constant 0 : i32
        %dma_wait3A_143 = tpu.memref_slice %arg10[%select_n3A_78, %dma_wait3A_141, %dma_wait3A_142] : memref<2x400x16xf32, #tpu.memory_space<vmem>> -> memref<1x400x16xf32, #tpu.memory_space<vmem>>
        %dma_wait3A_144 = tpu.memref_squeeze %dma_wait3A_143 : memref<1x400x16xf32, #tpu.memory_space<vmem>> -> memref<400x16xf32, #tpu.memory_space<vmem>>
        %dma_wait3A_145 = arith.constant 0 : i32
        %dma_wait3A_146 = tpu.memref_slice %arg3[%add3A_134, %dma_wait3A_145] : memref<320000x16xf32, #tpu.memory_space<hbm>> -> memref<400x16xf32, #tpu.memory_space<hbm>>
        tpu.wait_dma2 semaphore(%arg15 : memref<!tpu.dma_semaphore, #tpu.memory_space<semaphore_mem>>) src(%dma_wait3A_146 : memref<400x16xf32, #tpu.memory_space<hbm>>) dst(%dma_wait3A_144 : memref<400x16xf32, #tpu.memory_space<vmem>>)
        %add3A_147 = arith.constant 1 : i32
        %add3A_148 = arith.addi %select_n3A, %add3A_147 : i32
        %lt3A_149 = arith.constant 25 : i32
        %lt3A_150 = arith.cmpi slt, %add3A_148, %lt3A_149 : i32
        %convert_element_type3A_151 = arith.extui %lt3A_150 : i1 to i32
        %cond3A_152 = arith.constant 0 : i32
        %cond3A_153 = arith.cmpi ne, %convert_element_type3A_151, %cond3A_152 : i32
        scf.if %cond3A_153 {
          %add3A_154 = arith.constant 1 : i32
          %add3A_155 = arith.addi %select_n3A, %add3A_154 : i32
          %mul3A_156 = arith.constant 400 : i32
          %mul3A_157 = arith.muli %add3A_155, %mul3A_156 : i32
          %add3A_158 = arith.addi %mul3A_2, %mul3A_157 : i32
          %sub3A_159 = arith.constant 1 : i32
          %sub3A_160 = arith.subi %sub3A_159, %select_n3A_78 : i32
          %dma_start3A_161 = arith.constant 0 : i32
          %dma_start3A_162 = arith.constant 0 : i32
          %dma_start3A_163 = tpu.memref_slice %arg9[%sub3A_160, %dma_start3A_161, %dma_start3A_162] : memref<2x400x16xf32, #tpu.memory_space<vmem>> -> memref<1x400x16xf32, #tpu.memory_space<vmem>>
          %dma_start3A_164 = tpu.memref_squeeze %dma_start3A_163 : memref<1x400x16xf32, #tpu.memory_space<vmem>> -> memref<400x16xf32, #tpu.memory_space<vmem>>
          %dma_start3A_165 = arith.constant 0 : i32
          %dma_start3A_166 = tpu.memref_slice %arg2[%add3A_158, %dma_start3A_165] : memref<320000x16xf32, #tpu.memory_space<hbm>> -> memref<400x16xf32, #tpu.memory_space<hbm>>
          %dma_start3A_167 = arith.constant 0 : i32
          %dma_start3A_168 = arith.constant 0 : i32
          %dma_start3A_169 = tpu.memref_slice %arg9[%sub3A_160, %dma_start3A_167, %dma_start3A_168] : memref<2x400x16xf32, #tpu.memory_space<vmem>> -> memref<1x400x16xf32, #tpu.memory_space<vmem>>
          %dma_start3A_170 = tpu.memref_squeeze %dma_start3A_169 : memref<1x400x16xf32, #tpu.memory_space<vmem>> -> memref<400x16xf32, #tpu.memory_space<vmem>>
          %dma_start3A_171 = arith.constant 0 : i32
          %dma_start3A_172 = tpu.memref_slice %arg2[%add3A_158, %dma_start3A_171] : memref<320000x16xf32, #tpu.memory_space<hbm>> -> memref<400x16xf32, #tpu.memory_space<hbm>>
          tpu.enqueue_dma source(%dma_start3A_172 : memref<400x16xf32, #tpu.memory_space<hbm>>) target(%dma_start3A_170 : memref<400x16xf32, #tpu.memory_space<vmem>>) target_semaphore(%arg14 : memref<!tpu.dma_semaphore, #tpu.memory_space<semaphore_mem>>)
          %add3A_173 = arith.constant 1 : i32
          %add3A_174 = arith.addi %select_n3A, %add3A_173 : i32
          %mul3A_175 = arith.constant 400 : i32
          %mul3A_176 = arith.muli %add3A_174, %mul3A_175 : i32
          %add3A_177 = arith.addi %mul3A_2, %mul3A_176 : i32
          %sub3A_178 = arith.constant 1 : i32
          %sub3A_179 = arith.subi %sub3A_178, %select_n3A_78 : i32
          %dma_start3A_180 = arith.constant 0 : i32
          %dma_start3A_181 = arith.constant 0 : i32
          %dma_start3A_182 = tpu.memref_slice %arg10[%sub3A_179, %dma_start3A_180, %dma_start3A_181] : memref<2x400x16xf32, #tpu.memory_space<vmem>> -> memref<1x400x16xf32, #tpu.memory_space<vmem>>
          %dma_start3A_183 = tpu.memref_squeeze %dma_start3A_182 : memref<1x400x16xf32, #tpu.memory_space<vmem>> -> memref<400x16xf32, #tpu.memory_space<vmem>>
          %dma_start3A_184 = arith.constant 0 : i32
          %dma_start3A_185 = tpu.memref_slice %arg3[%add3A_177, %dma_start3A_184] : memref<320000x16xf32, #tpu.memory_space<hbm>> -> memref<400x16xf32, #tpu.memory_space<hbm>>
          %dma_start3A_186 = arith.constant 0 : i32
          %dma_start3A_187 = arith.constant 0 : i32
          %dma_start3A_188 = tpu.memref_slice %arg10[%sub3A_179, %dma_start3A_186, %dma_start3A_187] : memref<2x400x16xf32, #tpu.memory_space<vmem>> -> memref<1x400x16xf32, #tpu.memory_space<vmem>>
          %dma_start3A_189 = tpu.memref_squeeze %dma_start3A_188 : memref<1x400x16xf32, #tpu.memory_space<vmem>> -> memref<400x16xf32, #tpu.memory_space<vmem>>
          %dma_start3A_190 = arith.constant 0 : i32
          %dma_start3A_191 = tpu.memref_slice %arg3[%add3A_177, %dma_start3A_190] : memref<320000x16xf32, #tpu.memory_space<hbm>> -> memref<400x16xf32, #tpu.memory_space<hbm>>
          tpu.enqueue_dma source(%dma_start3A_191 : memref<400x16xf32, #tpu.memory_space<hbm>>) target(%dma_start3A_189 : memref<400x16xf32, #tpu.memory_space<vmem>>) target_semaphore(%arg15 : memref<!tpu.dma_semaphore, #tpu.memory_space<semaphore_mem>>)
        } else {
        }
      } else {
      }
      %jit3A_98 = arith.constant 5 : i32
      %eq3A_99 = arith.constant 0 : i32
      %eq3A_100 = arith.cmpi eq, %jit3A_98, %eq3A_99 : i32
      %jit3A_101 = arith.constant 1 : i32
      %select_n3A_102 = arith.select %eq3A_100, %jit3A_101, %jit3A_98 : i32
      %rem3A_103 = arith.remsi %scan3A_48, %select_n3A_102 : i32
      %ne3A_104 = arith.constant 0 : i32
      %ne3A_105 = arith.cmpi ne, %rem3A_103, %ne3A_104 : i32
      %lt3A_106 = arith.constant 0 : i32
      %lt3A_107 = arith.cmpi slt, %rem3A_103, %lt3A_106 : i32
      %lt3A_108 = arith.constant 0 : i32
      %lt3A_109 = arith.cmpi slt, %select_n3A_102, %lt3A_108 : i32
      %ne3A_110 = arith.xori %lt3A_107, %lt3A_109 : i1
      %and3A_111 = arith.andi %ne3A_110, %ne3A_105 : i1
      %add3A_112 = arith.addi %rem3A_103, %select_n3A_102 : i32
      %select_n3A_113 = arith.select %and3A_111, %add3A_112, %rem3A_103 : i32
      %mul3A_114 = arith.constant 80 : i32
      %mul3A_115 = arith.muli %select_n3A_113, %mul3A_114 : i32
      "tpu.region"() ({
        %run_scoped3A = tpu.sem_alloc : memref<!tpu.dma_semaphore, #tpu.memory_space<semaphore_mem>>
        %dma_start3A_118 = arith.constant 0 : i32
        %dma_start3A_119 = tpu.memref_slice %arg9[%select_n3A_78, %mul3A_115, %dma_start3A_118] : memref<2x400x16xf32, #tpu.memory_space<vmem>> -> memref<1x80x16xf32, #tpu.memory_space<vmem>>
        %dma_start3A_120 = tpu.memref_squeeze %dma_start3A_119 : memref<1x80x16xf32, #tpu.memory_space<vmem>> -> memref<80x16xf32, #tpu.memory_space<vmem>>
        %dma_start3A_121 = arith.constant 0 : i32
        %dma_start3A_122 = tpu.memref_slice %arg8[%scan3A_48, %dma_start3A_121] : memref<125x80xi32, #tpu.memory_space<vmem>> -> memref<1x80xi32, #tpu.memory_space<vmem>>
        %dma_start3A_123 = tpu.memref_squeeze %dma_start3A_122 : memref<1x80xi32, #tpu.memory_space<vmem>> -> memref<80xi32, #tpu.memory_space<vmem>>
        %dma_start3A_124 = arith.constant 0 : i32
        %dma_start3A_125 = arith.constant 0 : i32
        %dma_start3A_126 = tpu.memref_slice %arg12[%dma_start3A_124, %dma_start3A_125] : memref<10112x16xf32, #tpu.memory_space<vmem_shared>> -> memref<10112x16xf32, #tpu.memory_space<vmem_shared>>
        tpu.enqueue_indirect_dma source(%dma_start3A_120 : memref<80x16xf32, #tpu.memory_space<vmem>>) target(%dma_start3A_126 : memref<10112x16xf32, #tpu.memory_space<vmem_shared>>) offsets(%dma_start3A_123 : memref<80xi32, #tpu.memory_space<vmem>>) semaphore(%run_scoped3A : memref<!tpu.dma_semaphore, #tpu.memory_space<semaphore_mem>>) {add = true}
        %dma_wait3A = arith.constant 0 : i32
        %dma_wait3A_127 = tpu.memref_slice %arg9[%select_n3A_78, %mul3A_115, %dma_wait3A] : memref<2x400x16xf32, #tpu.memory_space<vmem>> -> memref<1x80x16xf32, #tpu.memory_space<vmem>>
        %dma_wait3A_128 = tpu.memref_squeeze %dma_wait3A_127 : memref<1x80x16xf32, #tpu.memory_space<vmem>> -> memref<80x16xf32, #tpu.memory_space<vmem>>
        %dma_wait3A_129 = arith.constant 0 : i32
        %dma_wait3A_130 = tpu.memref_slice %arg8[%scan3A_48, %dma_wait3A_129] : memref<125x80xi32, #tpu.memory_space<vmem>> -> memref<1x80xi32, #tpu.memory_space<vmem>>
        %dma_wait3A_131 = tpu.memref_squeeze %dma_wait3A_130 : memref<1x80xi32, #tpu.memory_space<vmem>> -> memref<80xi32, #tpu.memory_space<vmem>>
        %dma_wait3A_132 = arith.constant 0 : i32
        %dma_wait3A_133 = arith.constant 0 : i32
        %dma_wait3A_134 = tpu.memref_slice %arg12[%dma_wait3A_132, %dma_wait3A_133] : memref<10112x16xf32, #tpu.memory_space<vmem_shared>> -> memref<10112x16xf32, #tpu.memory_space<vmem_shared>>
        tpu.wait_indirect_dma semaphore(%run_scoped3A : memref<!tpu.dma_semaphore, #tpu.memory_space<semaphore_mem>>) src(%dma_wait3A_128 : memref<80x16xf32, #tpu.memory_space<vmem>>) dst(%dma_wait3A_134 : memref<10112x16xf32, #tpu.memory_space<vmem_shared>>)
        tpu.yield
      }) : () -> ()
      %mul3A_116 = arith.constant 80 : i32
      %mul3A_117 = arith.muli %select_n3A_113, %mul3A_116 : i32
      "tpu.region"() ({
        %run_scoped3A = tpu.sem_alloc : memref<!tpu.dma_semaphore, #tpu.memory_space<semaphore_mem>>
        %dma_start3A_118 = arith.constant 0 : i32
        %dma_start3A_119 = tpu.memref_slice %arg10[%select_n3A_78, %mul3A_117, %dma_start3A_118] : memref<2x400x16xf32, #tpu.memory_space<vmem>> -> memref<1x80x16xf32, #tpu.memory_space<vmem>>
        %dma_start3A_120 = tpu.memref_squeeze %dma_start3A_119 : memref<1x80x16xf32, #tpu.memory_space<vmem>> -> memref<80x16xf32, #tpu.memory_space<vmem>>
        %dma_start3A_121 = arith.constant 0 : i32
        %dma_start3A_122 = tpu.memref_slice %arg8[%scan3A_48, %dma_start3A_121] : memref<125x80xi32, #tpu.memory_space<vmem>> -> memref<1x80xi32, #tpu.memory_space<vmem>>
        %dma_start3A_123 = tpu.memref_squeeze %dma_start3A_122 : memref<1x80xi32, #tpu.memory_space<vmem>> -> memref<80xi32, #tpu.memory_space<vmem>>
        %dma_start3A_124 = arith.constant 0 : i32
        %dma_start3A_125 = arith.constant 0 : i32
        %dma_start3A_126 = tpu.memref_slice %arg13[%dma_start3A_124, %dma_start3A_125] : memref<10112x16xf32, #tpu.memory_space<vmem_shared>> -> memref<10112x16xf32, #tpu.memory_space<vmem_shared>>
        tpu.enqueue_indirect_dma source(%dma_start3A_120 : memref<80x16xf32, #tpu.memory_space<vmem>>) target(%dma_start3A_126 : memref<10112x16xf32, #tpu.memory_space<vmem_shared>>) offsets(%dma_start3A_123 : memref<80xi32, #tpu.memory_space<vmem>>) semaphore(%run_scoped3A : memref<!tpu.dma_semaphore, #tpu.memory_space<semaphore_mem>>) {add = true}
        %dma_wait3A = arith.constant 0 : i32
        %dma_wait3A_127 = tpu.memref_slice %arg10[%select_n3A_78, %mul3A_117, %dma_wait3A] : memref<2x400x16xf32, #tpu.memory_space<vmem>> -> memref<1x80x16xf32, #tpu.memory_space<vmem>>
        %dma_wait3A_128 = tpu.memref_squeeze %dma_wait3A_127 : memref<1x80x16xf32, #tpu.memory_space<vmem>> -> memref<80x16xf32, #tpu.memory_space<vmem>>
        %dma_wait3A_129 = arith.constant 0 : i32
        %dma_wait3A_130 = tpu.memref_slice %arg8[%scan3A_48, %dma_wait3A_129] : memref<125x80xi32, #tpu.memory_space<vmem>> -> memref<1x80xi32, #tpu.memory_space<vmem>>
        %dma_wait3A_131 = tpu.memref_squeeze %dma_wait3A_130 : memref<1x80xi32, #tpu.memory_space<vmem>> -> memref<80xi32, #tpu.memory_space<vmem>>
        %dma_wait3A_132 = arith.constant 0 : i32
        %dma_wait3A_133 = arith.constant 0 : i32
        %dma_wait3A_134 = tpu.memref_slice %arg13[%dma_wait3A_132, %dma_wait3A_133] : memref<10112x16xf32, #tpu.memory_space<vmem_shared>> -> memref<10112x16xf32, #tpu.memory_space<vmem_shared>>
        tpu.wait_indirect_dma semaphore(%run_scoped3A : memref<!tpu.dma_semaphore, #tpu.memory_space<semaphore_mem>>) src(%dma_wait3A_128 : memref<80x16xf32, #tpu.memory_space<vmem>>) dst(%dma_wait3A_134 : memref<10112x16xf32, #tpu.memory_space<vmem_shared>>)
        tpu.yield
      }) : () -> ()
    }
    %scan3A_38 = arith.constant 125 : i32
    %barrier3A_39 = arith.constant 0 : index
    tpu.barrier barrier_id(%barrier3A_39)
    %mul3A_40 = arith.constant 632 : i32
    %mul3A_41 = arith.muli %arg1, %mul3A_40 : i32
    "tpu.region"() ({
      %run_scoped3A = tpu.sem_alloc : memref<!tpu.dma_semaphore, #tpu.memory_space<semaphore_mem>>
      %dma_start3A_48 = arith.constant 0 : i32
      %dma_start3A_49 = tpu.memref_slice %arg12[%mul3A_41, %dma_start3A_48] : memref<10112x16xf32, #tpu.memory_space<vmem_shared>> -> memref<632x16xf32, #tpu.memory_space<vmem_shared>>
      %dma_start3A_50 = arith.constant 0 : i32
      %dma_start3A_51 = tpu.memref_slice %arg12[%mul3A_41, %dma_start3A_50] : memref<10112x16xf32, #tpu.memory_space<vmem_shared>> -> memref<632x16xf32, #tpu.memory_space<vmem_shared>>
      tpu.enqueue_dma source(%dma_start3A_51 : memref<632x16xf32, #tpu.memory_space<vmem_shared>>) target(%arg11 : memref<632x16xf32, #tpu.memory_space<vmem>>) target_semaphore(%run_scoped3A : memref<!tpu.dma_semaphore, #tpu.memory_space<semaphore_mem>>)
      %dma_wait3A = arith.constant 0 : i32
      %dma_wait3A_52 = tpu.memref_slice %arg12[%mul3A_41, %dma_wait3A] : memref<10112x16xf32, #tpu.memory_space<vmem_shared>> -> memref<632x16xf32, #tpu.memory_space<vmem_shared>>
      %dma_wait3A_53 = arith.constant 0 : i32
      %dma_wait3A_54 = tpu.memref_slice %arg12[%mul3A_41, %dma_wait3A_53] : memref<10112x16xf32, #tpu.memory_space<vmem_shared>> -> memref<632x16xf32, #tpu.memory_space<vmem_shared>>
      tpu.wait_dma2 semaphore(%run_scoped3A : memref<!tpu.dma_semaphore, #tpu.memory_space<semaphore_mem>>) src(%dma_wait3A_54 : memref<632x16xf32, #tpu.memory_space<vmem_shared>>) dst(%arg11 : memref<632x16xf32, #tpu.memory_space<vmem>>)
      tpu.yield
    }) : () -> ()
    %mul3A_42 = arith.constant 632 : i32
    %mul3A_43 = arith.muli %arg1, %mul3A_42 : i32
    "tpu.region"() ({
      %run_scoped3A = tpu.sem_alloc : memref<!tpu.dma_semaphore, #tpu.memory_space<semaphore_mem>>
      %dma_start3A_48 = arith.constant 0 : i32
      %dma_start3A_49 = tpu.memref_slice %arg6[%arg0, %mul3A_43, %dma_start3A_48] : memref<2x10112x16xf32, #tpu.memory_space<hbm>> -> memref<1x632x16xf32, #tpu.memory_space<hbm>>
      %dma_start3A_50 = tpu.memref_squeeze %dma_start3A_49 : memref<1x632x16xf32, #tpu.memory_space<hbm>> -> memref<632x16xf32, #tpu.memory_space<hbm>>
      %dma_start3A_51 = arith.constant 0 : i32
      %dma_start3A_52 = tpu.memref_slice %arg6[%arg0, %mul3A_43, %dma_start3A_51] : memref<2x10112x16xf32, #tpu.memory_space<hbm>> -> memref<1x632x16xf32, #tpu.memory_space<hbm>>
      %dma_start3A_53 = tpu.memref_squeeze %dma_start3A_52 : memref<1x632x16xf32, #tpu.memory_space<hbm>> -> memref<632x16xf32, #tpu.memory_space<hbm>>
      tpu.enqueue_dma source(%arg11 : memref<632x16xf32, #tpu.memory_space<vmem>>) target(%dma_start3A_53 : memref<632x16xf32, #tpu.memory_space<hbm>>) target_semaphore(%run_scoped3A : memref<!tpu.dma_semaphore, #tpu.memory_space<semaphore_mem>>)
      %dma_wait3A = arith.constant 0 : i32
      %dma_wait3A_54 = tpu.memref_slice %arg6[%arg0, %mul3A_43, %dma_wait3A] : memref<2x10112x16xf32, #tpu.memory_space<hbm>> -> memref<1x632x16xf32, #tpu.memory_space<hbm>>
      %dma_wait3A_55 = tpu.memref_squeeze %dma_wait3A_54 : memref<1x632x16xf32, #tpu.memory_space<hbm>> -> memref<632x16xf32, #tpu.memory_space<hbm>>
      %dma_wait3A_56 = arith.constant 0 : i32
      %dma_wait3A_57 = tpu.memref_slice %arg6[%arg0, %mul3A_43, %dma_wait3A_56] : memref<2x10112x16xf32, #tpu.memory_space<hbm>> -> memref<1x632x16xf32, #tpu.memory_space<hbm>>
      %dma_wait3A_58 = tpu.memref_squeeze %dma_wait3A_57 : memref<1x632x16xf32, #tpu.memory_space<hbm>> -> memref<632x16xf32, #tpu.memory_space<hbm>>
      tpu.wait_dma2 semaphore(%run_scoped3A : memref<!tpu.dma_semaphore, #tpu.memory_space<semaphore_mem>>) src(%arg11 : memref<632x16xf32, #tpu.memory_space<vmem>>) dst(%dma_wait3A_58 : memref<632x16xf32, #tpu.memory_space<hbm>>)
      tpu.yield
    }) : () -> ()
    %mul3A_44 = arith.constant 632 : i32
    %mul3A_45 = arith.muli %arg1, %mul3A_44 : i32
    "tpu.region"() ({
      %run_scoped3A = tpu.sem_alloc : memref<!tpu.dma_semaphore, #tpu.memory_space<semaphore_mem>>
      %dma_start3A_48 = arith.constant 0 : i32
      %dma_start3A_49 = tpu.memref_slice %arg13[%mul3A_45, %dma_start3A_48] : memref<10112x16xf32, #tpu.memory_space<vmem_shared>> -> memref<632x16xf32, #tpu.memory_space<vmem_shared>>
      %dma_start3A_50 = arith.constant 0 : i32
      %dma_start3A_51 = tpu.memref_slice %arg13[%mul3A_45, %dma_start3A_50] : memref<10112x16xf32, #tpu.memory_space<vmem_shared>> -> memref<632x16xf32, #tpu.memory_space<vmem_shared>>
      tpu.enqueue_dma source(%dma_start3A_51 : memref<632x16xf32, #tpu.memory_space<vmem_shared>>) target(%arg11 : memref<632x16xf32, #tpu.memory_space<vmem>>) target_semaphore(%run_scoped3A : memref<!tpu.dma_semaphore, #tpu.memory_space<semaphore_mem>>)
      %dma_wait3A = arith.constant 0 : i32
      %dma_wait3A_52 = tpu.memref_slice %arg13[%mul3A_45, %dma_wait3A] : memref<10112x16xf32, #tpu.memory_space<vmem_shared>> -> memref<632x16xf32, #tpu.memory_space<vmem_shared>>
      %dma_wait3A_53 = arith.constant 0 : i32
      %dma_wait3A_54 = tpu.memref_slice %arg13[%mul3A_45, %dma_wait3A_53] : memref<10112x16xf32, #tpu.memory_space<vmem_shared>> -> memref<632x16xf32, #tpu.memory_space<vmem_shared>>
      tpu.wait_dma2 semaphore(%run_scoped3A : memref<!tpu.dma_semaphore, #tpu.memory_space<semaphore_mem>>) src(%dma_wait3A_54 : memref<632x16xf32, #tpu.memory_space<vmem_shared>>) dst(%arg11 : memref<632x16xf32, #tpu.memory_space<vmem>>)
      tpu.yield
    }) : () -> ()
    %mul3A_46 = arith.constant 632 : i32
    %mul3A_47 = arith.muli %arg1, %mul3A_46 : i32
    "tpu.region"() ({
      %run_scoped3A = tpu.sem_alloc : memref<!tpu.dma_semaphore, #tpu.memory_space<semaphore_mem>>
      %dma_start3A_48 = arith.constant 0 : i32
      %dma_start3A_49 = tpu.memref_slice %arg7[%arg0, %mul3A_47, %dma_start3A_48] : memref<2x10112x16xf32, #tpu.memory_space<hbm>> -> memref<1x632x16xf32, #tpu.memory_space<hbm>>
      %dma_start3A_50 = tpu.memref_squeeze %dma_start3A_49 : memref<1x632x16xf32, #tpu.memory_space<hbm>> -> memref<632x16xf32, #tpu.memory_space<hbm>>
      %dma_start3A_51 = arith.constant 0 : i32
      %dma_start3A_52 = tpu.memref_slice %arg7[%arg0, %mul3A_47, %dma_start3A_51] : memref<2x10112x16xf32, #tpu.memory_space<hbm>> -> memref<1x632x16xf32, #tpu.memory_space<hbm>>
      %dma_start3A_53 = tpu.memref_squeeze %dma_start3A_52 : memref<1x632x16xf32, #tpu.memory_space<hbm>> -> memref<632x16xf32, #tpu.memory_space<hbm>>
      tpu.enqueue_dma source(%arg11 : memref<632x16xf32, #tpu.memory_space<vmem>>) target(%dma_start3A_53 : memref<632x16xf32, #tpu.memory_space<hbm>>) target_semaphore(%run_scoped3A : memref<!tpu.dma_semaphore, #tpu.memory_space<semaphore_mem>>)
      %dma_wait3A = arith.constant 0 : i32
      %dma_wait3A_54 = tpu.memref_slice %arg7[%arg0, %mul3A_47, %dma_wait3A] : memref<2x10112x16xf32, #tpu.memory_space<hbm>> -> memref<1x632x16xf32, #tpu.memory_space<hbm>>
      %dma_wait3A_55 = tpu.memref_squeeze %dma_wait3A_54 : memref<1x632x16xf32, #tpu.memory_space<hbm>> -> memref<632x16xf32, #tpu.memory_space<hbm>>
      %dma_wait3A_56 = arith.constant 0 : i32
      %dma_wait3A_57 = tpu.memref_slice %arg7[%arg0, %mul3A_47, %dma_wait3A_56] : memref<2x10112x16xf32, #tpu.memory_space<hbm>> -> memref<1x632x16xf32, #tpu.memory_space<hbm>>
      %dma_wait3A_58 = tpu.memref_squeeze %dma_wait3A_57 : memref<1x632x16xf32, #tpu.memory_space<hbm>> -> memref<632x16xf32, #tpu.memory_space<hbm>>
      tpu.wait_dma2 semaphore(%run_scoped3A : memref<!tpu.dma_semaphore, #tpu.memory_space<semaphore_mem>>) src(%arg11 : memref<632x16xf32, #tpu.memory_space<vmem>>) dst(%dma_wait3A_58 : memref<632x16xf32, #tpu.memory_space<hbm>>)
      tpu.yield
    }) : () -> ()
    return
  }
}

#map = affine_map<(d0, d1) -> (0, 0)>
#map1 = affine_map<(d0, d1) -> (0, 0, 0, 0)>
#map2 = affine_map<(d0, d1) -> (0)>
module attributes {stable_mosaic.version = 14 : i64} {
  func.func @_lambda_(%arg0: i32, %arg1: i32, %arg2: memref<16x10112xf32, #tpu.memory_space<hbm>>, %arg3: memref<2x2500x8x128xf32, #tpu.memory_space<hbm>>, %arg4: memref<320000xi32, #tpu.memory_space<hbm>>, %arg5: memref<320000xi32, #tpu.memory_space<hbm>>, %arg6: memref<2x2500x8x128xf32, #tpu.memory_space<hbm>>, %arg7: memref<9984xi32, #tpu.memory_space<vmem>>, %arg8: memref<9984xi32, #tpu.memory_space<vmem>>, %arg9: memref<128xi32, #tpu.memory_space<vmem>>, %arg10: memref<128xi32, #tpu.memory_space<vmem>>, %arg11: memref<2x10112xf32, #tpu.memory_space<vmem>>, %arg12: memref<2x78x128xf32, #tpu.memory_space<vmem>>, %arg13: memref<2x78x128xf32, #tpu.memory_space<vmem>>, %arg14: memref<128xf32, #tpu.memory_space<vmem>>, %arg15: memref<!tpu.dma_semaphore, #tpu.memory_space<semaphore_mem>>, %arg16: memref<!tpu.dma_semaphore, #tpu.memory_space<semaphore_mem>>, %arg17: memref<!tpu.dma_semaphore, #tpu.memory_space<semaphore_mem>>, %arg18: memref<!tpu.dma_semaphore, #tpu.memory_space<semaphore_mem>>) attributes {dimension_semantics = [#tpu.dimension_semantics<core_parallel>, #tpu.dimension_semantics<subcore_parallel>], iteration_bounds = array<i64: 2, 16>, scalar_prefetch = 0 : i64, scratch_operands = 12 : i64, tpu.core_type = #tpu.core_type<sc_vector_subcore>, window_params = [{transform_indices = #map}, {transform_indices = #map1}, {transform_indices = #map2}, {transform_indices = #map2}, {transform_indices = #map1}]} {
    %mul3A = arith.constant 16 : i32
    %mul3A_0 = arith.muli %arg0, %mul3A : i32
    %add3A = arith.addi %mul3A_0, %arg1 : i32
    %mul3A_1 = arith.constant 78 : i32
    %mul3A_2 = arith.muli %mul3A_1, %add3A : i32
    %add3A_3 = arith.constant 4 : i32
    %add3A_4 = arith.addi %add3A_3, %mul3A_2 : i32
    %mul3A_5 = arith.constant 128 : i32
    %mul3A_6 = arith.muli %add3A_4, %mul3A_5 : i32
    "tpu.region"() ({
      %run_scoped3A = tpu.sem_alloc : memref<!tpu.dma_semaphore, #tpu.memory_space<semaphore_mem>>
      %dma_start3A_77 = tpu.memref_slice %arg4[%mul3A_6] : memref<320000xi32, #tpu.memory_space<hbm>> -> memref<9984xi32, #tpu.memory_space<hbm>>
      %dma_start3A_78 = tpu.memref_slice %arg4[%mul3A_6] : memref<320000xi32, #tpu.memory_space<hbm>> -> memref<9984xi32, #tpu.memory_space<hbm>>
      tpu.enqueue_dma source(%dma_start3A_78 : memref<9984xi32, #tpu.memory_space<hbm>>) target(%arg7 : memref<9984xi32, #tpu.memory_space<vmem>>) target_semaphore(%run_scoped3A : memref<!tpu.dma_semaphore, #tpu.memory_space<semaphore_mem>>)
      %dma_wait3A_79 = tpu.memref_slice %arg4[%mul3A_6] : memref<320000xi32, #tpu.memory_space<hbm>> -> memref<9984xi32, #tpu.memory_space<hbm>>
      %dma_wait3A_80 = tpu.memref_slice %arg4[%mul3A_6] : memref<320000xi32, #tpu.memory_space<hbm>> -> memref<9984xi32, #tpu.memory_space<hbm>>
      tpu.wait_dma2 semaphore(%run_scoped3A : memref<!tpu.dma_semaphore, #tpu.memory_space<semaphore_mem>>) src(%dma_wait3A_80 : memref<9984xi32, #tpu.memory_space<hbm>>) dst(%arg7 : memref<9984xi32, #tpu.memory_space<vmem>>)
      tpu.yield
    }) : () -> ()
    "tpu.region"() ({
      %run_scoped3A = tpu.sem_alloc : memref<!tpu.dma_semaphore, #tpu.memory_space<semaphore_mem>>
      %dma_start3A_77 = tpu.memref_slice %arg5[%mul3A_6] : memref<320000xi32, #tpu.memory_space<hbm>> -> memref<9984xi32, #tpu.memory_space<hbm>>
      %dma_start3A_78 = tpu.memref_slice %arg5[%mul3A_6] : memref<320000xi32, #tpu.memory_space<hbm>> -> memref<9984xi32, #tpu.memory_space<hbm>>
      tpu.enqueue_dma source(%dma_start3A_78 : memref<9984xi32, #tpu.memory_space<hbm>>) target(%arg8 : memref<9984xi32, #tpu.memory_space<vmem>>) target_semaphore(%run_scoped3A : memref<!tpu.dma_semaphore, #tpu.memory_space<semaphore_mem>>)
      %dma_wait3A_79 = tpu.memref_slice %arg5[%mul3A_6] : memref<320000xi32, #tpu.memory_space<hbm>> -> memref<9984xi32, #tpu.memory_space<hbm>>
      %dma_wait3A_80 = tpu.memref_slice %arg5[%mul3A_6] : memref<320000xi32, #tpu.memory_space<hbm>> -> memref<9984xi32, #tpu.memory_space<hbm>>
      tpu.wait_dma2 semaphore(%run_scoped3A : memref<!tpu.dma_semaphore, #tpu.memory_space<semaphore_mem>>) src(%dma_wait3A_80 : memref<9984xi32, #tpu.memory_space<hbm>>) dst(%arg8 : memref<9984xi32, #tpu.memory_space<vmem>>)
      tpu.yield
    }) : () -> ()
    %lt3A = arith.constant 4 : i32
    %lt3A_7 = arith.cmpi slt, %add3A, %lt3A : i32
    %convert_element_type3A = arith.extui %lt3A_7 : i1 to i32
    %cond3A = arith.constant 0 : i32
    %cond3A_8 = arith.cmpi ne, %convert_element_type3A, %cond3A : i32
    scf.if %cond3A_8 {
      %mul3A_77 = arith.constant 128 : i32
      %mul3A_78 = arith.muli %add3A, %mul3A_77 : i32
      "tpu.region"() ({
        %run_scoped3A = tpu.sem_alloc : memref<!tpu.dma_semaphore, #tpu.memory_space<semaphore_mem>>
        %dma_start3A_81 = tpu.memref_slice %arg4[%mul3A_78] : memref<320000xi32, #tpu.memory_space<hbm>> -> memref<128xi32, #tpu.memory_space<hbm>>
        %dma_start3A_82 = tpu.memref_slice %arg4[%mul3A_78] : memref<320000xi32, #tpu.memory_space<hbm>> -> memref<128xi32, #tpu.memory_space<hbm>>
        tpu.enqueue_dma source(%dma_start3A_82 : memref<128xi32, #tpu.memory_space<hbm>>) target(%arg9 : memref<128xi32, #tpu.memory_space<vmem>>) target_semaphore(%run_scoped3A : memref<!tpu.dma_semaphore, #tpu.memory_space<semaphore_mem>>)
        %dma_wait3A_83 = tpu.memref_slice %arg4[%mul3A_78] : memref<320000xi32, #tpu.memory_space<hbm>> -> memref<128xi32, #tpu.memory_space<hbm>>
        %dma_wait3A_84 = tpu.memref_slice %arg4[%mul3A_78] : memref<320000xi32, #tpu.memory_space<hbm>> -> memref<128xi32, #tpu.memory_space<hbm>>
        tpu.wait_dma2 semaphore(%run_scoped3A : memref<!tpu.dma_semaphore, #tpu.memory_space<semaphore_mem>>) src(%dma_wait3A_84 : memref<128xi32, #tpu.memory_space<hbm>>) dst(%arg9 : memref<128xi32, #tpu.memory_space<vmem>>)
        tpu.yield
      }) : () -> ()
      %mul3A_79 = arith.constant 128 : i32
      %mul3A_80 = arith.muli %add3A, %mul3A_79 : i32
      "tpu.region"() ({
        %run_scoped3A = tpu.sem_alloc : memref<!tpu.dma_semaphore, #tpu.memory_space<semaphore_mem>>
        %dma_start3A_81 = tpu.memref_slice %arg5[%mul3A_80] : memref<320000xi32, #tpu.memory_space<hbm>> -> memref<128xi32, #tpu.memory_space<hbm>>
        %dma_start3A_82 = tpu.memref_slice %arg5[%mul3A_80] : memref<320000xi32, #tpu.memory_space<hbm>> -> memref<128xi32, #tpu.memory_space<hbm>>
        tpu.enqueue_dma source(%dma_start3A_82 : memref<128xi32, #tpu.memory_space<hbm>>) target(%arg10 : memref<128xi32, #tpu.memory_space<vmem>>) target_semaphore(%run_scoped3A : memref<!tpu.dma_semaphore, #tpu.memory_space<semaphore_mem>>)
        %dma_wait3A_83 = tpu.memref_slice %arg5[%mul3A_80] : memref<320000xi32, #tpu.memory_space<hbm>> -> memref<128xi32, #tpu.memory_space<hbm>>
        %dma_wait3A_84 = tpu.memref_slice %arg5[%mul3A_80] : memref<320000xi32, #tpu.memory_space<hbm>> -> memref<128xi32, #tpu.memory_space<hbm>>
        tpu.wait_dma2 semaphore(%run_scoped3A : memref<!tpu.dma_semaphore, #tpu.memory_space<semaphore_mem>>) src(%dma_wait3A_84 : memref<128xi32, #tpu.memory_space<hbm>>) dst(%arg10 : memref<128xi32, #tpu.memory_space<vmem>>)
        tpu.yield
      }) : () -> ()
    } else {
    }
    %dma_start3A = arith.constant 0 : i32
    %dma_start3A_9 = arith.constant 0 : i32
    %dma_start3A_10 = arith.constant 0 : i32
    %dma_start3A_11 = tpu.memref_slice %arg11[%dma_start3A_9, %dma_start3A_10] : memref<2x10112xf32, #tpu.memory_space<vmem>> -> memref<1x10112xf32, #tpu.memory_space<vmem>>
    %dma_start3A_12 = tpu.memref_squeeze %dma_start3A_11 : memref<1x10112xf32, #tpu.memory_space<vmem>> -> memref<10112xf32, #tpu.memory_space<vmem>>
    %dma_start3A_13 = arith.constant 0 : i32
    %dma_start3A_14 = tpu.memref_slice %arg2[%dma_start3A, %dma_start3A_13] : memref<16x10112xf32, #tpu.memory_space<hbm>> -> memref<1x10112xf32, #tpu.memory_space<hbm>>
    %dma_start3A_15 = tpu.memref_squeeze %dma_start3A_14 : memref<1x10112xf32, #tpu.memory_space<hbm>> -> memref<10112xf32, #tpu.memory_space<hbm>>
    %dma_start3A_16 = arith.constant 0 : i32
    %dma_start3A_17 = tpu.memref_slice %arg11[%dma_start3A_9, %dma_start3A_16] : memref<2x10112xf32, #tpu.memory_space<vmem>> -> memref<1x10112xf32, #tpu.memory_space<vmem>>
    %dma_start3A_18 = tpu.memref_squeeze %dma_start3A_17 : memref<1x10112xf32, #tpu.memory_space<vmem>> -> memref<10112xf32, #tpu.memory_space<vmem>>
    %dma_start3A_19 = arith.constant 0 : i32
    %dma_start3A_20 = tpu.memref_slice %arg2[%dma_start3A, %dma_start3A_19] : memref<16x10112xf32, #tpu.memory_space<hbm>> -> memref<1x10112xf32, #tpu.memory_space<hbm>>
    %dma_start3A_21 = tpu.memref_squeeze %dma_start3A_20 : memref<1x10112xf32, #tpu.memory_space<hbm>> -> memref<10112xf32, #tpu.memory_space<hbm>>
    tpu.enqueue_dma source(%dma_start3A_21 : memref<10112xf32, #tpu.memory_space<hbm>>) target(%dma_start3A_18 : memref<10112xf32, #tpu.memory_space<vmem>>) target_semaphore(%arg15 : memref<!tpu.dma_semaphore, #tpu.memory_space<semaphore_mem>>)
    %dma_start3A_22 = arith.constant 0 : i32
    %dma_start3A_23 = arith.constant 0 : i32
    %dma_start3A_24 = arith.constant 0 : i32
    %dma_start3A_25 = arith.constant 0 : i32
    %dma_start3A_26 = arith.constant 0 : i32
    %dma_start3A_27 = tpu.memref_slice %arg12[%dma_start3A_24, %dma_start3A_25, %dma_start3A_26] : memref<2x78x128xf32, #tpu.memory_space<vmem>> -> memref<1x78x128xf32, #tpu.memory_space<vmem>>
    %dma_start3A_28 = tpu.memref_squeeze %dma_start3A_27 : memref<1x78x128xf32, #tpu.memory_space<vmem>> -> memref<78x128xf32, #tpu.memory_space<vmem>>
    %dma_start3A_29 = arith.constant 0 : i32
    %dma_start3A_30 = tpu.memref_slice %arg3[%dma_start3A_22, %add3A_4, %dma_start3A_23, %dma_start3A_29] : memref<2x2500x8x128xf32, #tpu.memory_space<hbm>> -> memref<1x78x1x128xf32, #tpu.memory_space<hbm>>
    %dma_start3A_31 = tpu.memref_squeeze %dma_start3A_30 : memref<1x78x1x128xf32, #tpu.memory_space<hbm>> -> memref<78x128xf32, #tpu.memory_space<hbm>>
    %dma_start3A_32 = arith.constant 0 : i32
    %dma_start3A_33 = arith.constant 0 : i32
    %dma_start3A_34 = tpu.memref_slice %arg12[%dma_start3A_24, %dma_start3A_32, %dma_start3A_33] : memref<2x78x128xf32, #tpu.memory_space<vmem>> -> memref<1x78x128xf32, #tpu.memory_space<vmem>>
    %dma_start3A_35 = tpu.memref_squeeze %dma_start3A_34 : memref<1x78x128xf32, #tpu.memory_space<vmem>> -> memref<78x128xf32, #tpu.memory_space<vmem>>
    %dma_start3A_36 = arith.constant 0 : i32
    %dma_start3A_37 = tpu.memref_slice %arg3[%dma_start3A_22, %add3A_4, %dma_start3A_23, %dma_start3A_36] : memref<2x2500x8x128xf32, #tpu.memory_space<hbm>> -> memref<1x78x1x128xf32, #tpu.memory_space<hbm>>
    %dma_start3A_38 = tpu.memref_squeeze %dma_start3A_37 : memref<1x78x1x128xf32, #tpu.memory_space<hbm>> -> memref<78x128xf32, #tpu.memory_space<hbm>>
    tpu.enqueue_dma source(%dma_start3A_38 : memref<78x128xf32, #tpu.memory_space<hbm>>) target(%dma_start3A_35 : memref<78x128xf32, #tpu.memory_space<vmem>>) target_semaphore(%arg16 : memref<!tpu.dma_semaphore, #tpu.memory_space<semaphore_mem>>)
    %scan3A = arith.constant 0 : i32
    %scan3A_39 = arith.constant 0 : i32
    %scan3A_40 = arith.constant 1248 : i32
    %scan3A_41 = arith.addi %scan3A_39, %scan3A_40 : i32
    %scan3A_42 = arith.constant 1 : i32
    scf.for %scan3A_77 = %scan3A_39 to %scan3A_41 step %scan3A_42  : i32 {
      %jit3A = arith.constant 78 : i32
      %div3A = arith.divsi %scan3A_77, %jit3A : i32
      %sign3A = arith.constant 0 : i32
      %sign3A_78 = arith.cmpi sgt, %scan3A_77, %sign3A : i32
      %sign3A_79 = arith.extui %sign3A_78 : i1 to i32
      %sign3A_80 = arith.constant 0 : i32
      %sign3A_81 = arith.cmpi slt, %scan3A_77, %sign3A_80 : i32
      %sign3A_82 = arith.extui %sign3A_81 : i1 to i32
      %sign3A_83 = arith.subi %sign3A_79, %sign3A_82 : i32
      %sign3A_84 = arith.constant 0 : i32
      %sign3A_85 = arith.cmpi sgt, %jit3A, %sign3A_84 : i32
      %sign3A_86 = arith.extui %sign3A_85 : i1 to i32
      %sign3A_87 = arith.constant 0 : i32
      %sign3A_88 = arith.cmpi slt, %jit3A, %sign3A_87 : i32
      %sign3A_89 = arith.extui %sign3A_88 : i1 to i32
      %sign3A_90 = arith.subi %sign3A_86, %sign3A_89 : i32
      %ne3A = arith.cmpi ne, %sign3A_83, %sign3A_90 : i32
      %rem3A = arith.remsi %scan3A_77, %jit3A : i32
      %ne3A_91 = arith.constant 0 : i32
      %ne3A_92 = arith.cmpi ne, %rem3A, %ne3A_91 : i32
      %and3A = arith.andi %ne3A, %ne3A_92 : i1
      %sub3A = arith.constant 1 : i32
      %sub3A_93 = arith.subi %div3A, %sub3A : i32
      %select_n3A = arith.select %and3A, %sub3A_93, %div3A : i32
      %jit3A_94 = arith.constant 78 : i32
      %eq3A = arith.constant 0 : i32
      %eq3A_95 = arith.cmpi eq, %jit3A_94, %eq3A : i32
      %jit3A_96 = arith.constant 1 : i32
      %select_n3A_97 = arith.select %eq3A_95, %jit3A_96, %jit3A_94 : i32
      %rem3A_98 = arith.remsi %scan3A_77, %select_n3A_97 : i32
      %ne3A_99 = arith.constant 0 : i32
      %ne3A_100 = arith.cmpi ne, %rem3A_98, %ne3A_99 : i32
      %lt3A_101 = arith.constant 0 : i32
      %lt3A_102 = arith.cmpi slt, %rem3A_98, %lt3A_101 : i32
      %lt3A_103 = arith.constant 0 : i32
      %lt3A_104 = arith.cmpi slt, %select_n3A_97, %lt3A_103 : i32
      %ne3A_105 = arith.xori %lt3A_102, %lt3A_104 : i1
      %and3A_106 = arith.andi %ne3A_105, %ne3A_100 : i1
      %add3A_107 = arith.addi %rem3A_98, %select_n3A_97 : i32
      %select_n3A_108 = arith.select %and3A_106, %add3A_107, %rem3A_98 : i32
      %jit3A_109 = arith.constant 2 : i32
      %eq3A_110 = arith.constant 0 : i32
      %eq3A_111 = arith.cmpi eq, %jit3A_109, %eq3A_110 : i32
      %jit3A_112 = arith.constant 1 : i32
      %select_n3A_113 = arith.select %eq3A_111, %jit3A_112, %jit3A_109 : i32
      %rem3A_114 = arith.remsi %select_n3A, %select_n3A_113 : i32
      %ne3A_115 = arith.constant 0 : i32
      %ne3A_116 = arith.cmpi ne, %rem3A_114, %ne3A_115 : i32
      %lt3A_117 = arith.constant 0 : i32
      %lt3A_118 = arith.cmpi slt, %rem3A_114, %lt3A_117 : i32
      %lt3A_119 = arith.constant 0 : i32
      %lt3A_120 = arith.cmpi slt, %select_n3A_113, %lt3A_119 : i32
      %ne3A_121 = arith.xori %lt3A_118, %lt3A_120 : i1
      %and3A_122 = arith.andi %ne3A_121, %ne3A_116 : i1
      %add3A_123 = arith.addi %rem3A_114, %select_n3A_113 : i32
      %select_n3A_124 = arith.select %and3A_122, %add3A_123, %rem3A_114 : i32
      %jit3A_125 = arith.constant 8 : i32
      %div3A_126 = arith.divsi %select_n3A, %jit3A_125 : i32
      %sign3A_127 = arith.constant 0 : i32
      %sign3A_128 = arith.cmpi sgt, %select_n3A, %sign3A_127 : i32
      %sign3A_129 = arith.extui %sign3A_128 : i1 to i32
      %sign3A_130 = arith.constant 0 : i32
      %sign3A_131 = arith.cmpi slt, %select_n3A, %sign3A_130 : i32
      %sign3A_132 = arith.extui %sign3A_131 : i1 to i32
      %sign3A_133 = arith.subi %sign3A_129, %sign3A_132 : i32
      %sign3A_134 = arith.constant 0 : i32
      %sign3A_135 = arith.cmpi sgt, %jit3A_125, %sign3A_134 : i32
      %sign3A_136 = arith.extui %sign3A_135 : i1 to i32
      %sign3A_137 = arith.constant 0 : i32
      %sign3A_138 = arith.cmpi slt, %jit3A_125, %sign3A_137 : i32
      %sign3A_139 = arith.extui %sign3A_138 : i1 to i32
      %sign3A_140 = arith.subi %sign3A_136, %sign3A_139 : i32
      %ne3A_141 = arith.cmpi ne, %sign3A_133, %sign3A_140 : i32
      %rem3A_142 = arith.remsi %select_n3A, %jit3A_125 : i32
      %ne3A_143 = arith.constant 0 : i32
      %ne3A_144 = arith.cmpi ne, %rem3A_142, %ne3A_143 : i32
      %and3A_145 = arith.andi %ne3A_141, %ne3A_144 : i1
      %sub3A_146 = arith.constant 1 : i32
      %sub3A_147 = arith.subi %div3A_126, %sub3A_146 : i32
      %select_n3A_148 = arith.select %and3A_145, %sub3A_147, %div3A_126 : i32
      %jit3A_149 = arith.constant 8 : i32
      %eq3A_150 = arith.constant 0 : i32
      %eq3A_151 = arith.cmpi eq, %jit3A_149, %eq3A_150 : i32
      %jit3A_152 = arith.constant 1 : i32
      %select_n3A_153 = arith.select %eq3A_151, %jit3A_152, %jit3A_149 : i32
      %rem3A_154 = arith.remsi %select_n3A, %select_n3A_153 : i32
      %ne3A_155 = arith.constant 0 : i32
      %ne3A_156 = arith.cmpi ne, %rem3A_154, %ne3A_155 : i32
      %lt3A_157 = arith.constant 0 : i32
      %lt3A_158 = arith.cmpi slt, %rem3A_154, %lt3A_157 : i32
      %lt3A_159 = arith.constant 0 : i32
      %lt3A_160 = arith.cmpi slt, %select_n3A_153, %lt3A_159 : i32
      %ne3A_161 = arith.xori %lt3A_158, %lt3A_160 : i1
      %and3A_162 = arith.andi %ne3A_161, %ne3A_156 : i1
      %add3A_163 = arith.addi %rem3A_154, %select_n3A_153 : i32
      %select_n3A_164 = arith.select %and3A_162, %add3A_163, %rem3A_154 : i32
      %eq3A_165 = arith.constant 0 : i32
      %eq3A_166 = arith.cmpi eq, %select_n3A_108, %eq3A_165 : i32
      %convert_element_type3A_167 = arith.extui %eq3A_166 : i1 to i32
      %cond3A_168 = arith.constant 0 : i32
      %cond3A_169 = arith.cmpi ne, %convert_element_type3A_167, %cond3A_168 : i32
      scf.if %cond3A_169 {
        %dma_wait3A_380 = arith.constant 0 : i32
        %dma_wait3A_381 = tpu.memref_slice %arg11[%select_n3A_124, %dma_wait3A_380] : memref<2x10112xf32, #tpu.memory_space<vmem>> -> memref<1x10112xf32, #tpu.memory_space<vmem>>
        %dma_wait3A_382 = tpu.memref_squeeze %dma_wait3A_381 : memref<1x10112xf32, #tpu.memory_space<vmem>> -> memref<10112xf32, #tpu.memory_space<vmem>>
        %dma_wait3A_383 = arith.constant 0 : i32
        %dma_wait3A_384 = tpu.memref_slice %arg2[%select_n3A, %dma_wait3A_383] : memref<16x10112xf32, #tpu.memory_space<hbm>> -> memref<1x10112xf32, #tpu.memory_space<hbm>>
        %dma_wait3A_385 = tpu.memref_squeeze %dma_wait3A_384 : memref<1x10112xf32, #tpu.memory_space<hbm>> -> memref<10112xf32, #tpu.memory_space<hbm>>
        %dma_wait3A_386 = arith.constant 0 : i32
        %dma_wait3A_387 = tpu.memref_slice %arg11[%select_n3A_124, %dma_wait3A_386] : memref<2x10112xf32, #tpu.memory_space<vmem>> -> memref<1x10112xf32, #tpu.memory_space<vmem>>
        %dma_wait3A_388 = tpu.memref_squeeze %dma_wait3A_387 : memref<1x10112xf32, #tpu.memory_space<vmem>> -> memref<10112xf32, #tpu.memory_space<vmem>>
        %dma_wait3A_389 = arith.constant 0 : i32
        %dma_wait3A_390 = tpu.memref_slice %arg2[%select_n3A, %dma_wait3A_389] : memref<16x10112xf32, #tpu.memory_space<hbm>> -> memref<1x10112xf32, #tpu.memory_space<hbm>>
        %dma_wait3A_391 = tpu.memref_squeeze %dma_wait3A_390 : memref<1x10112xf32, #tpu.memory_space<hbm>> -> memref<10112xf32, #tpu.memory_space<hbm>>
        tpu.wait_dma2 semaphore(%arg15 : memref<!tpu.dma_semaphore, #tpu.memory_space<semaphore_mem>>) src(%dma_wait3A_391 : memref<10112xf32, #tpu.memory_space<hbm>>) dst(%dma_wait3A_388 : memref<10112xf32, #tpu.memory_space<vmem>>)
        %dma_wait3A_392 = arith.constant 0 : i32
        %dma_wait3A_393 = arith.constant 0 : i32
        %dma_wait3A_394 = tpu.memref_slice %arg12[%select_n3A_124, %dma_wait3A_392, %dma_wait3A_393] : memref<2x78x128xf32, #tpu.memory_space<vmem>> -> memref<1x78x128xf32, #tpu.memory_space<vmem>>
        %dma_wait3A_395 = tpu.memref_squeeze %dma_wait3A_394 : memref<1x78x128xf32, #tpu.memory_space<vmem>> -> memref<78x128xf32, #tpu.memory_space<vmem>>
        %dma_wait3A_396 = arith.constant 0 : i32
        %dma_wait3A_397 = tpu.memref_slice %arg3[%select_n3A_148, %add3A_4, %select_n3A_164, %dma_wait3A_396] : memref<2x2500x8x128xf32, #tpu.memory_space<hbm>> -> memref<1x78x1x128xf32, #tpu.memory_space<hbm>>
        %dma_wait3A_398 = tpu.memref_squeeze %dma_wait3A_397 : memref<1x78x1x128xf32, #tpu.memory_space<hbm>> -> memref<78x128xf32, #tpu.memory_space<hbm>>
        %dma_wait3A_399 = arith.constant 0 : i32
        %dma_wait3A_400 = arith.constant 0 : i32
        %dma_wait3A_401 = tpu.memref_slice %arg12[%select_n3A_124, %dma_wait3A_399, %dma_wait3A_400] : memref<2x78x128xf32, #tpu.memory_space<vmem>> -> memref<1x78x128xf32, #tpu.memory_space<vmem>>
        %dma_wait3A_402 = tpu.memref_squeeze %dma_wait3A_401 : memref<1x78x128xf32, #tpu.memory_space<vmem>> -> memref<78x128xf32, #tpu.memory_space<vmem>>
        %dma_wait3A_403 = arith.constant 0 : i32
        %dma_wait3A_404 = tpu.memref_slice %arg3[%select_n3A_148, %add3A_4, %select_n3A_164, %dma_wait3A_403] : memref<2x2500x8x128xf32, #tpu.memory_space<hbm>> -> memref<1x78x1x128xf32, #tpu.memory_space<hbm>>
        %dma_wait3A_405 = tpu.memref_squeeze %dma_wait3A_404 : memref<1x78x1x128xf32, #tpu.memory_space<hbm>> -> memref<78x128xf32, #tpu.memory_space<hbm>>
        tpu.wait_dma2 semaphore(%arg16 : memref<!tpu.dma_semaphore, #tpu.memory_space<semaphore_mem>>) src(%dma_wait3A_405 : memref<78x128xf32, #tpu.memory_space<hbm>>) dst(%dma_wait3A_402 : memref<78x128xf32, #tpu.memory_space<vmem>>)
        %add3A_406 = arith.constant 1 : i32
        %add3A_407 = arith.addi %select_n3A, %add3A_406 : i32
        %lt3A_408 = arith.constant 16 : i32
        %lt3A_409 = arith.cmpi slt, %add3A_407, %lt3A_408 : i32
        %convert_element_type3A_410 = arith.extui %lt3A_409 : i1 to i32
        %cond3A_411 = arith.constant 0 : i32
        %cond3A_412 = arith.cmpi ne, %convert_element_type3A_410, %cond3A_411 : i32
        scf.if %cond3A_412 {
          %add3A_417 = arith.constant 1 : i32
          %add3A_418 = arith.addi %select_n3A, %add3A_417 : i32
          %sub3A_419 = arith.constant 1 : i32
          %sub3A_420 = arith.subi %sub3A_419, %select_n3A_124 : i32
          %dma_start3A_421 = arith.constant 0 : i32
          %dma_start3A_422 = tpu.memref_slice %arg11[%sub3A_420, %dma_start3A_421] : memref<2x10112xf32, #tpu.memory_space<vmem>> -> memref<1x10112xf32, #tpu.memory_space<vmem>>
          %dma_start3A_423 = tpu.memref_squeeze %dma_start3A_422 : memref<1x10112xf32, #tpu.memory_space<vmem>> -> memref<10112xf32, #tpu.memory_space<vmem>>
          %dma_start3A_424 = arith.constant 0 : i32
          %dma_start3A_425 = tpu.memref_slice %arg2[%add3A_418, %dma_start3A_424] : memref<16x10112xf32, #tpu.memory_space<hbm>> -> memref<1x10112xf32, #tpu.memory_space<hbm>>
          %dma_start3A_426 = tpu.memref_squeeze %dma_start3A_425 : memref<1x10112xf32, #tpu.memory_space<hbm>> -> memref<10112xf32, #tpu.memory_space<hbm>>
          %dma_start3A_427 = arith.constant 0 : i32
          %dma_start3A_428 = tpu.memref_slice %arg11[%sub3A_420, %dma_start3A_427] : memref<2x10112xf32, #tpu.memory_space<vmem>> -> memref<1x10112xf32, #tpu.memory_space<vmem>>
          %dma_start3A_429 = tpu.memref_squeeze %dma_start3A_428 : memref<1x10112xf32, #tpu.memory_space<vmem>> -> memref<10112xf32, #tpu.memory_space<vmem>>
          %dma_start3A_430 = arith.constant 0 : i32
          %dma_start3A_431 = tpu.memref_slice %arg2[%add3A_418, %dma_start3A_430] : memref<16x10112xf32, #tpu.memory_space<hbm>> -> memref<1x10112xf32, #tpu.memory_space<hbm>>
          %dma_start3A_432 = tpu.memref_squeeze %dma_start3A_431 : memref<1x10112xf32, #tpu.memory_space<hbm>> -> memref<10112xf32, #tpu.memory_space<hbm>>
          tpu.enqueue_dma source(%dma_start3A_432 : memref<10112xf32, #tpu.memory_space<hbm>>) target(%dma_start3A_429 : memref<10112xf32, #tpu.memory_space<vmem>>) target_semaphore(%arg15 : memref<!tpu.dma_semaphore, #tpu.memory_space<semaphore_mem>>)
          %jit3A_433 = arith.constant 8 : i32
          %div3A_434 = arith.divsi %add3A_418, %jit3A_433 : i32
          %sign3A_435 = arith.constant 0 : i32
          %sign3A_436 = arith.cmpi sgt, %add3A_418, %sign3A_435 : i32
          %sign3A_437 = arith.extui %sign3A_436 : i1 to i32
          %sign3A_438 = arith.constant 0 : i32
          %sign3A_439 = arith.cmpi slt, %add3A_418, %sign3A_438 : i32
          %sign3A_440 = arith.extui %sign3A_439 : i1 to i32
          %sign3A_441 = arith.subi %sign3A_437, %sign3A_440 : i32
          %sign3A_442 = arith.constant 0 : i32
          %sign3A_443 = arith.cmpi sgt, %jit3A_433, %sign3A_442 : i32
          %sign3A_444 = arith.extui %sign3A_443 : i1 to i32
          %sign3A_445 = arith.constant 0 : i32
          %sign3A_446 = arith.cmpi slt, %jit3A_433, %sign3A_445 : i32
          %sign3A_447 = arith.extui %sign3A_446 : i1 to i32
          %sign3A_448 = arith.subi %sign3A_444, %sign3A_447 : i32
          %ne3A_449 = arith.cmpi ne, %sign3A_441, %sign3A_448 : i32
          %rem3A_450 = arith.remsi %add3A_418, %jit3A_433 : i32
          %ne3A_451 = arith.constant 0 : i32
          %ne3A_452 = arith.cmpi ne, %rem3A_450, %ne3A_451 : i32
          %and3A_453 = arith.andi %ne3A_449, %ne3A_452 : i1
          %sub3A_454 = arith.constant 1 : i32
          %sub3A_455 = arith.subi %div3A_434, %sub3A_454 : i32
          %select_n3A_456 = arith.select %and3A_453, %sub3A_455, %div3A_434 : i32
          %jit3A_457 = arith.constant 8 : i32
          %eq3A_458 = arith.constant 0 : i32
          %eq3A_459 = arith.cmpi eq, %jit3A_457, %eq3A_458 : i32
          %jit3A_460 = arith.constant 1 : i32
          %select_n3A_461 = arith.select %eq3A_459, %jit3A_460, %jit3A_457 : i32
          %rem3A_462 = arith.remsi %add3A_418, %select_n3A_461 : i32
          %ne3A_463 = arith.constant 0 : i32
          %ne3A_464 = arith.cmpi ne, %rem3A_462, %ne3A_463 : i32
          %lt3A_465 = arith.constant 0 : i32
          %lt3A_466 = arith.cmpi slt, %rem3A_462, %lt3A_465 : i32
          %lt3A_467 = arith.constant 0 : i32
          %lt3A_468 = arith.cmpi slt, %select_n3A_461, %lt3A_467 : i32
          %ne3A_469 = arith.xori %lt3A_466, %lt3A_468 : i1
          %and3A_470 = arith.andi %ne3A_469, %ne3A_464 : i1
          %add3A_471 = arith.addi %rem3A_462, %select_n3A_461 : i32
          %select_n3A_472 = arith.select %and3A_470, %add3A_471, %rem3A_462 : i32
          %sub3A_473 = arith.constant 1 : i32
          %sub3A_474 = arith.subi %sub3A_473, %select_n3A_124 : i32
          %dma_start3A_475 = arith.constant 0 : i32
          %dma_start3A_476 = arith.constant 0 : i32
          %dma_start3A_477 = tpu.memref_slice %arg12[%sub3A_474, %dma_start3A_475, %dma_start3A_476] : memref<2x78x128xf32, #tpu.memory_space<vmem>> -> memref<1x78x128xf32, #tpu.memory_space<vmem>>
          %dma_start3A_478 = tpu.memref_squeeze %dma_start3A_477 : memref<1x78x128xf32, #tpu.memory_space<vmem>> -> memref<78x128xf32, #tpu.memory_space<vmem>>
          %dma_start3A_479 = arith.constant 0 : i32
          %dma_start3A_480 = tpu.memref_slice %arg3[%select_n3A_456, %add3A_4, %select_n3A_472, %dma_start3A_479] : memref<2x2500x8x128xf32, #tpu.memory_space<hbm>> -> memref<1x78x1x128xf32, #tpu.memory_space<hbm>>
          %dma_start3A_481 = tpu.memref_squeeze %dma_start3A_480 : memref<1x78x1x128xf32, #tpu.memory_space<hbm>> -> memref<78x128xf32, #tpu.memory_space<hbm>>
          %dma_start3A_482 = arith.constant 0 : i32
          %dma_start3A_483 = arith.constant 0 : i32
          %dma_start3A_484 = tpu.memref_slice %arg12[%sub3A_474, %dma_start3A_482, %dma_start3A_483] : memref<2x78x128xf32, #tpu.memory_space<vmem>> -> memref<1x78x128xf32, #tpu.memory_space<vmem>>
          %dma_start3A_485 = tpu.memref_squeeze %dma_start3A_484 : memref<1x78x128xf32, #tpu.memory_space<vmem>> -> memref<78x128xf32, #tpu.memory_space<vmem>>
          %dma_start3A_486 = arith.constant 0 : i32
          %dma_start3A_487 = tpu.memref_slice %arg3[%select_n3A_456, %add3A_4, %select_n3A_472, %dma_start3A_486] : memref<2x2500x8x128xf32, #tpu.memory_space<hbm>> -> memref<1x78x1x128xf32, #tpu.memory_space<hbm>>
          %dma_start3A_488 = tpu.memref_squeeze %dma_start3A_487 : memref<1x78x1x128xf32, #tpu.memory_space<hbm>> -> memref<78x128xf32, #tpu.memory_space<hbm>>
          tpu.enqueue_dma source(%dma_start3A_488 : memref<78x128xf32, #tpu.memory_space<hbm>>) target(%dma_start3A_485 : memref<78x128xf32, #tpu.memory_space<vmem>>) target_semaphore(%arg16 : memref<!tpu.dma_semaphore, #tpu.memory_space<semaphore_mem>>)
        } else {
        }
        %ge3A = arith.constant 2 : i32
        %ge3A_413 = arith.cmpi sge, %select_n3A, %ge3A : i32
        %convert_element_type3A_414 = arith.extui %ge3A_413 : i1 to i32
        %cond3A_415 = arith.constant 0 : i32
        %cond3A_416 = arith.cmpi ne, %convert_element_type3A_414, %cond3A_415 : i32
        scf.if %cond3A_416 {
          %sub3A_417 = arith.constant 2 : i32
          %sub3A_418 = arith.subi %select_n3A, %sub3A_417 : i32
          %eq3A_419 = arith.constant 0 : i32
          %eq3A_420 = arith.cmpi eq, %select_n3A_124, %eq3A_419 : i32
          %convert_element_type3A_421 = arith.extui %eq3A_420 : i1 to i32
          %cond3A_422 = arith.constant 0 : i32
          %cond3A_423 = arith.cmpi ne, %convert_element_type3A_421, %cond3A_422 : i32
          scf.if %cond3A_423 {
            %jit3A_429 = arith.constant 8 : i32
            %div3A_430 = arith.divsi %sub3A_418, %jit3A_429 : i32
            %sign3A_431 = arith.constant 0 : i32
            %sign3A_432 = arith.cmpi sgt, %sub3A_418, %sign3A_431 : i32
            %sign3A_433 = arith.extui %sign3A_432 : i1 to i32
            %sign3A_434 = arith.constant 0 : i32
            %sign3A_435 = arith.cmpi slt, %sub3A_418, %sign3A_434 : i32
            %sign3A_436 = arith.extui %sign3A_435 : i1 to i32
            %sign3A_437 = arith.subi %sign3A_433, %sign3A_436 : i32
            %sign3A_438 = arith.constant 0 : i32
            %sign3A_439 = arith.cmpi sgt, %jit3A_429, %sign3A_438 : i32
            %sign3A_440 = arith.extui %sign3A_439 : i1 to i32
            %sign3A_441 = arith.constant 0 : i32
            %sign3A_442 = arith.cmpi slt, %jit3A_429, %sign3A_441 : i32
            %sign3A_443 = arith.extui %sign3A_442 : i1 to i32
            %sign3A_444 = arith.subi %sign3A_440, %sign3A_443 : i32
            %ne3A_445 = arith.cmpi ne, %sign3A_437, %sign3A_444 : i32
            %rem3A_446 = arith.remsi %sub3A_418, %jit3A_429 : i32
            %ne3A_447 = arith.constant 0 : i32
            %ne3A_448 = arith.cmpi ne, %rem3A_446, %ne3A_447 : i32
            %and3A_449 = arith.andi %ne3A_445, %ne3A_448 : i1
            %sub3A_450 = arith.constant 1 : i32
            %sub3A_451 = arith.subi %div3A_430, %sub3A_450 : i32
            %select_n3A_452 = arith.select %and3A_449, %sub3A_451, %div3A_430 : i32
            %jit3A_453 = arith.constant 8 : i32
            %eq3A_454 = arith.constant 0 : i32
            %eq3A_455 = arith.cmpi eq, %jit3A_453, %eq3A_454 : i32
            %jit3A_456 = arith.constant 1 : i32
            %select_n3A_457 = arith.select %eq3A_455, %jit3A_456, %jit3A_453 : i32
            %rem3A_458 = arith.remsi %sub3A_418, %select_n3A_457 : i32
            %ne3A_459 = arith.constant 0 : i32
            %ne3A_460 = arith.cmpi ne, %rem3A_458, %ne3A_459 : i32
            %lt3A_461 = arith.constant 0 : i32
            %lt3A_462 = arith.cmpi slt, %rem3A_458, %lt3A_461 : i32
            %lt3A_463 = arith.constant 0 : i32
            %lt3A_464 = arith.cmpi slt, %select_n3A_457, %lt3A_463 : i32
            %ne3A_465 = arith.xori %lt3A_462, %lt3A_464 : i1
            %and3A_466 = arith.andi %ne3A_465, %ne3A_460 : i1
            %add3A_467 = arith.addi %rem3A_458, %select_n3A_457 : i32
            %select_n3A_468 = arith.select %and3A_466, %add3A_467, %rem3A_458 : i32
            %dma_wait3A_469 = arith.constant 0 : i32
            %dma_wait3A_470 = arith.constant 0 : i32
            %dma_wait3A_471 = arith.constant 0 : i32
            %dma_wait3A_472 = tpu.memref_slice %arg13[%dma_wait3A_469, %dma_wait3A_470, %dma_wait3A_471] : memref<2x78x128xf32, #tpu.memory_space<vmem>> -> memref<1x78x128xf32, #tpu.memory_space<vmem>>
            %dma_wait3A_473 = tpu.memref_squeeze %dma_wait3A_472 : memref<1x78x128xf32, #tpu.memory_space<vmem>> -> memref<78x128xf32, #tpu.memory_space<vmem>>
            %dma_wait3A_474 = arith.constant 0 : i32
            %dma_wait3A_475 = tpu.memref_slice %arg6[%select_n3A_452, %add3A_4, %select_n3A_468, %dma_wait3A_474] : memref<2x2500x8x128xf32, #tpu.memory_space<hbm>> -> memref<1x78x1x128xf32, #tpu.memory_space<hbm>>
            %dma_wait3A_476 = tpu.memref_squeeze %dma_wait3A_475 : memref<1x78x1x128xf32, #tpu.memory_space<hbm>> -> memref<78x128xf32, #tpu.memory_space<hbm>>
            %dma_wait3A_477 = arith.constant 0 : i32
            %dma_wait3A_478 = tpu.memref_slice %arg6[%select_n3A_452, %add3A_4, %select_n3A_468, %dma_wait3A_477] : memref<2x2500x8x128xf32, #tpu.memory_space<hbm>> -> memref<1x78x1x128xf32, #tpu.memory_space<hbm>>
            %dma_wait3A_479 = tpu.memref_squeeze %dma_wait3A_478 : memref<1x78x1x128xf32, #tpu.memory_space<hbm>> -> memref<78x128xf32, #tpu.memory_space<hbm>>
            %dma_wait3A_480 = arith.constant 0 : i32
            %dma_wait3A_481 = arith.constant 0 : i32
            %dma_wait3A_482 = tpu.memref_slice %arg13[%dma_wait3A_469, %dma_wait3A_480, %dma_wait3A_481] : memref<2x78x128xf32, #tpu.memory_space<vmem>> -> memref<1x78x128xf32, #tpu.memory_space<vmem>>
            %dma_wait3A_483 = tpu.memref_squeeze %dma_wait3A_482 : memref<1x78x128xf32, #tpu.memory_space<vmem>> -> memref<78x128xf32, #tpu.memory_space<vmem>>
            tpu.wait_dma2 semaphore(%arg17 : memref<!tpu.dma_semaphore, #tpu.memory_space<semaphore_mem>>) src(%dma_wait3A_483 : memref<78x128xf32, #tpu.memory_space<vmem>>) dst(%dma_wait3A_479 : memref<78x128xf32, #tpu.memory_space<hbm>>)
          } else {
          }
          %eq3A_424 = arith.constant 1 : i32
          %eq3A_425 = arith.cmpi eq, %select_n3A_124, %eq3A_424 : i32
          %convert_element_type3A_426 = arith.extui %eq3A_425 : i1 to i32
          %cond3A_427 = arith.constant 0 : i32
          %cond3A_428 = arith.cmpi ne, %convert_element_type3A_426, %cond3A_427 : i32
          scf.if %cond3A_428 {
            %jit3A_429 = arith.constant 8 : i32
            %div3A_430 = arith.divsi %sub3A_418, %jit3A_429 : i32
            %sign3A_431 = arith.constant 0 : i32
            %sign3A_432 = arith.cmpi sgt, %sub3A_418, %sign3A_431 : i32
            %sign3A_433 = arith.extui %sign3A_432 : i1 to i32
            %sign3A_434 = arith.constant 0 : i32
            %sign3A_435 = arith.cmpi slt, %sub3A_418, %sign3A_434 : i32
            %sign3A_436 = arith.extui %sign3A_435 : i1 to i32
            %sign3A_437 = arith.subi %sign3A_433, %sign3A_436 : i32
            %sign3A_438 = arith.constant 0 : i32
            %sign3A_439 = arith.cmpi sgt, %jit3A_429, %sign3A_438 : i32
            %sign3A_440 = arith.extui %sign3A_439 : i1 to i32
            %sign3A_441 = arith.constant 0 : i32
            %sign3A_442 = arith.cmpi slt, %jit3A_429, %sign3A_441 : i32
            %sign3A_443 = arith.extui %sign3A_442 : i1 to i32
            %sign3A_444 = arith.subi %sign3A_440, %sign3A_443 : i32
            %ne3A_445 = arith.cmpi ne, %sign3A_437, %sign3A_444 : i32
            %rem3A_446 = arith.remsi %sub3A_418, %jit3A_429 : i32
            %ne3A_447 = arith.constant 0 : i32
            %ne3A_448 = arith.cmpi ne, %rem3A_446, %ne3A_447 : i32
            %and3A_449 = arith.andi %ne3A_445, %ne3A_448 : i1
            %sub3A_450 = arith.constant 1 : i32
            %sub3A_451 = arith.subi %div3A_430, %sub3A_450 : i32
            %select_n3A_452 = arith.select %and3A_449, %sub3A_451, %div3A_430 : i32
            %jit3A_453 = arith.constant 8 : i32
            %eq3A_454 = arith.constant 0 : i32
            %eq3A_455 = arith.cmpi eq, %jit3A_453, %eq3A_454 : i32
            %jit3A_456 = arith.constant 1 : i32
            %select_n3A_457 = arith.select %eq3A_455, %jit3A_456, %jit3A_453 : i32
            %rem3A_458 = arith.remsi %sub3A_418, %select_n3A_457 : i32
            %ne3A_459 = arith.constant 0 : i32
            %ne3A_460 = arith.cmpi ne, %rem3A_458, %ne3A_459 : i32
            %lt3A_461 = arith.constant 0 : i32
            %lt3A_462 = arith.cmpi slt, %rem3A_458, %lt3A_461 : i32
            %lt3A_463 = arith.constant 0 : i32
            %lt3A_464 = arith.cmpi slt, %select_n3A_457, %lt3A_463 : i32
            %ne3A_465 = arith.xori %lt3A_462, %lt3A_464 : i1
            %and3A_466 = arith.andi %ne3A_465, %ne3A_460 : i1
            %add3A_467 = arith.addi %rem3A_458, %select_n3A_457 : i32
            %select_n3A_468 = arith.select %and3A_466, %add3A_467, %rem3A_458 : i32
            %dma_wait3A_469 = arith.constant 1 : i32
            %dma_wait3A_470 = arith.constant 0 : i32
            %dma_wait3A_471 = arith.constant 0 : i32
            %dma_wait3A_472 = tpu.memref_slice %arg13[%dma_wait3A_469, %dma_wait3A_470, %dma_wait3A_471] : memref<2x78x128xf32, #tpu.memory_space<vmem>> -> memref<1x78x128xf32, #tpu.memory_space<vmem>>
            %dma_wait3A_473 = tpu.memref_squeeze %dma_wait3A_472 : memref<1x78x128xf32, #tpu.memory_space<vmem>> -> memref<78x128xf32, #tpu.memory_space<vmem>>
            %dma_wait3A_474 = arith.constant 0 : i32
            %dma_wait3A_475 = tpu.memref_slice %arg6[%select_n3A_452, %add3A_4, %select_n3A_468, %dma_wait3A_474] : memref<2x2500x8x128xf32, #tpu.memory_space<hbm>> -> memref<1x78x1x128xf32, #tpu.memory_space<hbm>>
            %dma_wait3A_476 = tpu.memref_squeeze %dma_wait3A_475 : memref<1x78x1x128xf32, #tpu.memory_space<hbm>> -> memref<78x128xf32, #tpu.memory_space<hbm>>
            %dma_wait3A_477 = arith.constant 0 : i32
            %dma_wait3A_478 = tpu.memref_slice %arg6[%select_n3A_452, %add3A_4, %select_n3A_468, %dma_wait3A_477] : memref<2x2500x8x128xf32, #tpu.memory_space<hbm>> -> memref<1x78x1x128xf32, #tpu.memory_space<hbm>>
            %dma_wait3A_479 = tpu.memref_squeeze %dma_wait3A_478 : memref<1x78x1x128xf32, #tpu.memory_space<hbm>> -> memref<78x128xf32, #tpu.memory_space<hbm>>
            %dma_wait3A_480 = arith.constant 0 : i32
            %dma_wait3A_481 = arith.constant 0 : i32
            %dma_wait3A_482 = tpu.memref_slice %arg13[%dma_wait3A_469, %dma_wait3A_480, %dma_wait3A_481] : memref<2x78x128xf32, #tpu.memory_space<vmem>> -> memref<1x78x128xf32, #tpu.memory_space<vmem>>
            %dma_wait3A_483 = tpu.memref_squeeze %dma_wait3A_482 : memref<1x78x128xf32, #tpu.memory_space<vmem>> -> memref<78x128xf32, #tpu.memory_space<vmem>>
            tpu.wait_dma2 semaphore(%arg18 : memref<!tpu.dma_semaphore, #tpu.memory_space<semaphore_mem>>) src(%dma_wait3A_483 : memref<78x128xf32, #tpu.memory_space<vmem>>) dst(%dma_wait3A_479 : memref<78x128xf32, #tpu.memory_space<hbm>>)
          } else {
          }
        } else {
        }
      } else {
      }
      %mul3A_170 = arith.constant 128 : i32
      %mul3A_171 = arith.muli %select_n3A_108, %mul3A_170 : i32
      %add3A_172 = arith.constant 0 : i32
      %add3A_173 = arith.addi %mul3A_171, %add3A_172 : i32
      %get3A = arith.index_cast %add3A_173 : i32 to index
      %get3A_174 = tpu.vector_load %arg7[%get3A] {strides = array<i32>} : memref<9984xi32, #tpu.memory_space<vmem>>, vector<16xi32>,
      %get3A_175 = arith.index_cast %add3A_173 : i32 to index
      %get3A_176 = tpu.vector_load %arg8[%get3A_175] {strides = array<i32>} : memref<9984xi32, #tpu.memory_space<vmem>>, vector<16xi32>,
      %get3A_177 = arith.index_cast %select_n3A_124 : i32 to index
      %get3A_178 = arith.index_cast %select_n3A_108 : i32 to index
      %get3A_179 = arith.constant 0 : index
      %get3A_180 = tpu.vector_load %arg12[%get3A_177, %get3A_178, %get3A_179] {strides = array<i32>} : memref<2x78x128xf32, #tpu.memory_space<vmem>>, vector<16xf32>,
      %gather3A = arith.constant 0 : i32
      %gather3A_181 = tpu.memref_slice %arg11[%select_n3A_124, %gather3A] : memref<2x10112xf32, #tpu.memory_space<vmem>> -> memref<1x10112xf32, #tpu.memory_space<vmem>>
      %gather3A_182 = tpu.memref_squeeze %gather3A_181 : memref<1x10112xf32, #tpu.memory_space<vmem>> -> memref<10112xf32, #tpu.memory_space<vmem>>
      %gather3A_183 = tpu.vector_load_idx %gather3A_182[%get3A_174] : memref<10112xf32, #tpu.memory_space<vmem>>[vector<16xi32>], vector<16xf32>,
      %add3A_184 = arith.addf %get3A_180, %gather3A_183 : vector<16xf32>
      %gather3A_185 = arith.constant 0 : i32
      %gather3A_186 = tpu.memref_slice %arg11[%select_n3A_124, %gather3A_185] : memref<2x10112xf32, #tpu.memory_space<vmem>> -> memref<1x10112xf32, #tpu.memory_space<vmem>>
      %gather3A_187 = tpu.memref_squeeze %gather3A_186 : memref<1x10112xf32, #tpu.memory_space<vmem>> -> memref<10112xf32, #tpu.memory_space<vmem>>
      %gather3A_188 = tpu.vector_load_idx %gather3A_187[%get3A_176] : memref<10112xf32, #tpu.memory_space<vmem>>[vector<16xi32>], vector<16xf32>,
      %add3A_189 = arith.addf %add3A_184, %gather3A_188 : vector<16xf32>
      %swap3A = arith.index_cast %select_n3A_124 : i32 to index
      %swap3A_190 = arith.index_cast %select_n3A_108 : i32 to index
      %swap3A_191 = arith.constant 0 : index
      %swap3A_192 = tpu.vector_load %arg13[%swap3A, %swap3A_190, %swap3A_191] {strides = array<i32>} : memref<2x78x128xf32, #tpu.memory_space<vmem>>, vector<16xf32>,
      tpu.vector_store %arg13[%swap3A, %swap3A_190, %swap3A_191], %add3A_189 {strides = array<i32>} : memref<2x78x128xf32, #tpu.memory_space<vmem>>, vector<16xf32>,
      %mul3A_193 = arith.constant 128 : i32
      %mul3A_194 = arith.muli %select_n3A_108, %mul3A_193 : i32
      %add3A_195 = arith.constant 16 : i32
      %add3A_196 = arith.addi %mul3A_194, %add3A_195 : i32
      %get3A_197 = arith.index_cast %add3A_196 : i32 to index
      %get3A_198 = tpu.vector_load %arg7[%get3A_197] {strides = array<i32>} : memref<9984xi32, #tpu.memory_space<vmem>>, vector<16xi32>,
      %get3A_199 = arith.index_cast %add3A_196 : i32 to index
      %get3A_200 = tpu.vector_load %arg8[%get3A_199] {strides = array<i32>} : memref<9984xi32, #tpu.memory_space<vmem>>, vector<16xi32>,
      %get3A_201 = arith.index_cast %select_n3A_124 : i32 to index
      %get3A_202 = arith.index_cast %select_n3A_108 : i32 to index
      %get3A_203 = arith.constant 16 : index
      %get3A_204 = tpu.vector_load %arg12[%get3A_201, %get3A_202, %get3A_203] {strides = array<i32>} : memref<2x78x128xf32, #tpu.memory_space<vmem>>, vector<16xf32>,
      %gather3A_205 = arith.constant 0 : i32
      %gather3A_206 = tpu.memref_slice %arg11[%select_n3A_124, %gather3A_205] : memref<2x10112xf32, #tpu.memory_space<vmem>> -> memref<1x10112xf32, #tpu.memory_space<vmem>>
      %gather3A_207 = tpu.memref_squeeze %gather3A_206 : memref<1x10112xf32, #tpu.memory_space<vmem>> -> memref<10112xf32, #tpu.memory_space<vmem>>
      %gather3A_208 = tpu.vector_load_idx %gather3A_207[%get3A_198] : memref<10112xf32, #tpu.memory_space<vmem>>[vector<16xi32>], vector<16xf32>,
      %add3A_209 = arith.addf %get3A_204, %gather3A_208 : vector<16xf32>
      %gather3A_210 = arith.constant 0 : i32
      %gather3A_211 = tpu.memref_slice %arg11[%select_n3A_124, %gather3A_210] : memref<2x10112xf32, #tpu.memory_space<vmem>> -> memref<1x10112xf32, #tpu.memory_space<vmem>>
      %gather3A_212 = tpu.memref_squeeze %gather3A_211 : memref<1x10112xf32, #tpu.memory_space<vmem>> -> memref<10112xf32, #tpu.memory_space<vmem>>
      %gather3A_213 = tpu.vector_load_idx %gather3A_212[%get3A_200] : memref<10112xf32, #tpu.memory_space<vmem>>[vector<16xi32>], vector<16xf32>,
      %add3A_214 = arith.addf %add3A_209, %gather3A_213 : vector<16xf32>
      %swap3A_215 = arith.index_cast %select_n3A_124 : i32 to index
      %swap3A_216 = arith.index_cast %select_n3A_108 : i32 to index
      %swap3A_217 = arith.constant 16 : index
      %swap3A_218 = tpu.vector_load %arg13[%swap3A_215, %swap3A_216, %swap3A_217] {strides = array<i32>} : memref<2x78x128xf32, #tpu.memory_space<vmem>>, vector<16xf32>,
      tpu.vector_store %arg13[%swap3A_215, %swap3A_216, %swap3A_217], %add3A_214 {strides = array<i32>} : memref<2x78x128xf32, #tpu.memory_space<vmem>>, vector<16xf32>,
      %mul3A_219 = arith.constant 128 : i32
      %mul3A_220 = arith.muli %select_n3A_108, %mul3A_219 : i32
      %add3A_221 = arith.constant 32 : i32
      %add3A_222 = arith.addi %mul3A_220, %add3A_221 : i32
      %get3A_223 = arith.index_cast %add3A_222 : i32 to index
      %get3A_224 = tpu.vector_load %arg7[%get3A_223] {strides = array<i32>} : memref<9984xi32, #tpu.memory_space<vmem>>, vector<16xi32>,
      %get3A_225 = arith.index_cast %add3A_222 : i32 to index
      %get3A_226 = tpu.vector_load %arg8[%get3A_225] {strides = array<i32>} : memref<9984xi32, #tpu.memory_space<vmem>>, vector<16xi32>,
      %get3A_227 = arith.index_cast %select_n3A_124 : i32 to index
      %get3A_228 = arith.index_cast %select_n3A_108 : i32 to index
      %get3A_229 = arith.constant 32 : index
      %get3A_230 = tpu.vector_load %arg12[%get3A_227, %get3A_228, %get3A_229] {strides = array<i32>} : memref<2x78x128xf32, #tpu.memory_space<vmem>>, vector<16xf32>,
      %gather3A_231 = arith.constant 0 : i32
      %gather3A_232 = tpu.memref_slice %arg11[%select_n3A_124, %gather3A_231] : memref<2x10112xf32, #tpu.memory_space<vmem>> -> memref<1x10112xf32, #tpu.memory_space<vmem>>
      %gather3A_233 = tpu.memref_squeeze %gather3A_232 : memref<1x10112xf32, #tpu.memory_space<vmem>> -> memref<10112xf32, #tpu.memory_space<vmem>>
      %gather3A_234 = tpu.vector_load_idx %gather3A_233[%get3A_224] : memref<10112xf32, #tpu.memory_space<vmem>>[vector<16xi32>], vector<16xf32>,
      %add3A_235 = arith.addf %get3A_230, %gather3A_234 : vector<16xf32>
      %gather3A_236 = arith.constant 0 : i32
      %gather3A_237 = tpu.memref_slice %arg11[%select_n3A_124, %gather3A_236] : memref<2x10112xf32, #tpu.memory_space<vmem>> -> memref<1x10112xf32, #tpu.memory_space<vmem>>
      %gather3A_238 = tpu.memref_squeeze %gather3A_237 : memref<1x10112xf32, #tpu.memory_space<vmem>> -> memref<10112xf32, #tpu.memory_space<vmem>>
      %gather3A_239 = tpu.vector_load_idx %gather3A_238[%get3A_226] : memref<10112xf32, #tpu.memory_space<vmem>>[vector<16xi32>], vector<16xf32>,
      %add3A_240 = arith.addf %add3A_235, %gather3A_239 : vector<16xf32>
      %swap3A_241 = arith.index_cast %select_n3A_124 : i32 to index
      %swap3A_242 = arith.index_cast %select_n3A_108 : i32 to index
      %swap3A_243 = arith.constant 32 : index
      %swap3A_244 = tpu.vector_load %arg13[%swap3A_241, %swap3A_242, %swap3A_243] {strides = array<i32>} : memref<2x78x128xf32, #tpu.memory_space<vmem>>, vector<16xf32>,
      tpu.vector_store %arg13[%swap3A_241, %swap3A_242, %swap3A_243], %add3A_240 {strides = array<i32>} : memref<2x78x128xf32, #tpu.memory_space<vmem>>, vector<16xf32>,
      %mul3A_245 = arith.constant 128 : i32
      %mul3A_246 = arith.muli %select_n3A_108, %mul3A_245 : i32
      %add3A_247 = arith.constant 48 : i32
      %add3A_248 = arith.addi %mul3A_246, %add3A_247 : i32
      %get3A_249 = arith.index_cast %add3A_248 : i32 to index
      %get3A_250 = tpu.vector_load %arg7[%get3A_249] {strides = array<i32>} : memref<9984xi32, #tpu.memory_space<vmem>>, vector<16xi32>,
      %get3A_251 = arith.index_cast %add3A_248 : i32 to index
      %get3A_252 = tpu.vector_load %arg8[%get3A_251] {strides = array<i32>} : memref<9984xi32, #tpu.memory_space<vmem>>, vector<16xi32>,
      %get3A_253 = arith.index_cast %select_n3A_124 : i32 to index
      %get3A_254 = arith.index_cast %select_n3A_108 : i32 to index
      %get3A_255 = arith.constant 48 : index
      %get3A_256 = tpu.vector_load %arg12[%get3A_253, %get3A_254, %get3A_255] {strides = array<i32>} : memref<2x78x128xf32, #tpu.memory_space<vmem>>, vector<16xf32>,
      %gather3A_257 = arith.constant 0 : i32
      %gather3A_258 = tpu.memref_slice %arg11[%select_n3A_124, %gather3A_257] : memref<2x10112xf32, #tpu.memory_space<vmem>> -> memref<1x10112xf32, #tpu.memory_space<vmem>>
      %gather3A_259 = tpu.memref_squeeze %gather3A_258 : memref<1x10112xf32, #tpu.memory_space<vmem>> -> memref<10112xf32, #tpu.memory_space<vmem>>
      %gather3A_260 = tpu.vector_load_idx %gather3A_259[%get3A_250] : memref<10112xf32, #tpu.memory_space<vmem>>[vector<16xi32>], vector<16xf32>,
      %add3A_261 = arith.addf %get3A_256, %gather3A_260 : vector<16xf32>
      %gather3A_262 = arith.constant 0 : i32
      %gather3A_263 = tpu.memref_slice %arg11[%select_n3A_124, %gather3A_262] : memref<2x10112xf32, #tpu.memory_space<vmem>> -> memref<1x10112xf32, #tpu.memory_space<vmem>>
      %gather3A_264 = tpu.memref_squeeze %gather3A_263 : memref<1x10112xf32, #tpu.memory_space<vmem>> -> memref<10112xf32, #tpu.memory_space<vmem>>
      %gather3A_265 = tpu.vector_load_idx %gather3A_264[%get3A_252] : memref<10112xf32, #tpu.memory_space<vmem>>[vector<16xi32>], vector<16xf32>,
      %add3A_266 = arith.addf %add3A_261, %gather3A_265 : vector<16xf32>
      %swap3A_267 = arith.index_cast %select_n3A_124 : i32 to index
      %swap3A_268 = arith.index_cast %select_n3A_108 : i32 to index
      %swap3A_269 = arith.constant 48 : index
      %swap3A_270 = tpu.vector_load %arg13[%swap3A_267, %swap3A_268, %swap3A_269] {strides = array<i32>} : memref<2x78x128xf32, #tpu.memory_space<vmem>>, vector<16xf32>,
      tpu.vector_store %arg13[%swap3A_267, %swap3A_268, %swap3A_269], %add3A_266 {strides = array<i32>} : memref<2x78x128xf32, #tpu.memory_space<vmem>>, vector<16xf32>,
      %mul3A_271 = arith.constant 128 : i32
      %mul3A_272 = arith.muli %select_n3A_108, %mul3A_271 : i32
      %add3A_273 = arith.constant 64 : i32
      %add3A_274 = arith.addi %mul3A_272, %add3A_273 : i32
      %get3A_275 = arith.index_cast %add3A_274 : i32 to index
      %get3A_276 = tpu.vector_load %arg7[%get3A_275] {strides = array<i32>} : memref<9984xi32, #tpu.memory_space<vmem>>, vector<16xi32>,
      %get3A_277 = arith.index_cast %add3A_274 : i32 to index
      %get3A_278 = tpu.vector_load %arg8[%get3A_277] {strides = array<i32>} : memref<9984xi32, #tpu.memory_space<vmem>>, vector<16xi32>,
      %get3A_279 = arith.index_cast %select_n3A_124 : i32 to index
      %get3A_280 = arith.index_cast %select_n3A_108 : i32 to index
      %get3A_281 = arith.constant 64 : index
      %get3A_282 = tpu.vector_load %arg12[%get3A_279, %get3A_280, %get3A_281] {strides = array<i32>} : memref<2x78x128xf32, #tpu.memory_space<vmem>>, vector<16xf32>,
      %gather3A_283 = arith.constant 0 : i32
      %gather3A_284 = tpu.memref_slice %arg11[%select_n3A_124, %gather3A_283] : memref<2x10112xf32, #tpu.memory_space<vmem>> -> memref<1x10112xf32, #tpu.memory_space<vmem>>
      %gather3A_285 = tpu.memref_squeeze %gather3A_284 : memref<1x10112xf32, #tpu.memory_space<vmem>> -> memref<10112xf32, #tpu.memory_space<vmem>>
      %gather3A_286 = tpu.vector_load_idx %gather3A_285[%get3A_276] : memref<10112xf32, #tpu.memory_space<vmem>>[vector<16xi32>], vector<16xf32>,
      %add3A_287 = arith.addf %get3A_282, %gather3A_286 : vector<16xf32>
      %gather3A_288 = arith.constant 0 : i32
      %gather3A_289 = tpu.memref_slice %arg11[%select_n3A_124, %gather3A_288] : memref<2x10112xf32, #tpu.memory_space<vmem>> -> memref<1x10112xf32, #tpu.memory_space<vmem>>
      %gather3A_290 = tpu.memref_squeeze %gather3A_289 : memref<1x10112xf32, #tpu.memory_space<vmem>> -> memref<10112xf32, #tpu.memory_space<vmem>>
      %gather3A_291 = tpu.vector_load_idx %gather3A_290[%get3A_278] : memref<10112xf32, #tpu.memory_space<vmem>>[vector<16xi32>], vector<16xf32>,
      %add3A_292 = arith.addf %add3A_287, %gather3A_291 : vector<16xf32>
      %swap3A_293 = arith.index_cast %select_n3A_124 : i32 to index
      %swap3A_294 = arith.index_cast %select_n3A_108 : i32 to index
      %swap3A_295 = arith.constant 64 : index
      %swap3A_296 = tpu.vector_load %arg13[%swap3A_293, %swap3A_294, %swap3A_295] {strides = array<i32>} : memref<2x78x128xf32, #tpu.memory_space<vmem>>, vector<16xf32>,
      tpu.vector_store %arg13[%swap3A_293, %swap3A_294, %swap3A_295], %add3A_292 {strides = array<i32>} : memref<2x78x128xf32, #tpu.memory_space<vmem>>, vector<16xf32>,
      %mul3A_297 = arith.constant 128 : i32
      %mul3A_298 = arith.muli %select_n3A_108, %mul3A_297 : i32
      %add3A_299 = arith.constant 80 : i32
      %add3A_300 = arith.addi %mul3A_298, %add3A_299 : i32
      %get3A_301 = arith.index_cast %add3A_300 : i32 to index
      %get3A_302 = tpu.vector_load %arg7[%get3A_301] {strides = array<i32>} : memref<9984xi32, #tpu.memory_space<vmem>>, vector<16xi32>,
      %get3A_303 = arith.index_cast %add3A_300 : i32 to index
      %get3A_304 = tpu.vector_load %arg8[%get3A_303] {strides = array<i32>} : memref<9984xi32, #tpu.memory_space<vmem>>, vector<16xi32>,
      %get3A_305 = arith.index_cast %select_n3A_124 : i32 to index
      %get3A_306 = arith.index_cast %select_n3A_108 : i32 to index
      %get3A_307 = arith.constant 80 : index
      %get3A_308 = tpu.vector_load %arg12[%get3A_305, %get3A_306, %get3A_307] {strides = array<i32>} : memref<2x78x128xf32, #tpu.memory_space<vmem>>, vector<16xf32>,
      %gather3A_309 = arith.constant 0 : i32
      %gather3A_310 = tpu.memref_slice %arg11[%select_n3A_124, %gather3A_309] : memref<2x10112xf32, #tpu.memory_space<vmem>> -> memref<1x10112xf32, #tpu.memory_space<vmem>>
      %gather3A_311 = tpu.memref_squeeze %gather3A_310 : memref<1x10112xf32, #tpu.memory_space<vmem>> -> memref<10112xf32, #tpu.memory_space<vmem>>
      %gather3A_312 = tpu.vector_load_idx %gather3A_311[%get3A_302] : memref<10112xf32, #tpu.memory_space<vmem>>[vector<16xi32>], vector<16xf32>,
      %add3A_313 = arith.addf %get3A_308, %gather3A_312 : vector<16xf32>
      %gather3A_314 = arith.constant 0 : i32
      %gather3A_315 = tpu.memref_slice %arg11[%select_n3A_124, %gather3A_314] : memref<2x10112xf32, #tpu.memory_space<vmem>> -> memref<1x10112xf32, #tpu.memory_space<vmem>>
      %gather3A_316 = tpu.memref_squeeze %gather3A_315 : memref<1x10112xf32, #tpu.memory_space<vmem>> -> memref<10112xf32, #tpu.memory_space<vmem>>
      %gather3A_317 = tpu.vector_load_idx %gather3A_316[%get3A_304] : memref<10112xf32, #tpu.memory_space<vmem>>[vector<16xi32>], vector<16xf32>,
      %add3A_318 = arith.addf %add3A_313, %gather3A_317 : vector<16xf32>
      %swap3A_319 = arith.index_cast %select_n3A_124 : i32 to index
      %swap3A_320 = arith.index_cast %select_n3A_108 : i32 to index
      %swap3A_321 = arith.constant 80 : index
      %swap3A_322 = tpu.vector_load %arg13[%swap3A_319, %swap3A_320, %swap3A_321] {strides = array<i32>} : memref<2x78x128xf32, #tpu.memory_space<vmem>>, vector<16xf32>,
      tpu.vector_store %arg13[%swap3A_319, %swap3A_320, %swap3A_321], %add3A_318 {strides = array<i32>} : memref<2x78x128xf32, #tpu.memory_space<vmem>>, vector<16xf32>,
      %mul3A_323 = arith.constant 128 : i32
      %mul3A_324 = arith.muli %select_n3A_108, %mul3A_323 : i32
      %add3A_325 = arith.constant 96 : i32
      %add3A_326 = arith.addi %mul3A_324, %add3A_325 : i32
      %get3A_327 = arith.index_cast %add3A_326 : i32 to index
      %get3A_328 = tpu.vector_load %arg7[%get3A_327] {strides = array<i32>} : memref<9984xi32, #tpu.memory_space<vmem>>, vector<16xi32>,
      %get3A_329 = arith.index_cast %add3A_326 : i32 to index
      %get3A_330 = tpu.vector_load %arg8[%get3A_329] {strides = array<i32>} : memref<9984xi32, #tpu.memory_space<vmem>>, vector<16xi32>,
      %get3A_331 = arith.index_cast %select_n3A_124 : i32 to index
      %get3A_332 = arith.index_cast %select_n3A_108 : i32 to index
      %get3A_333 = arith.constant 96 : index
      %get3A_334 = tpu.vector_load %arg12[%get3A_331, %get3A_332, %get3A_333] {strides = array<i32>} : memref<2x78x128xf32, #tpu.memory_space<vmem>>, vector<16xf32>,
      %gather3A_335 = arith.constant 0 : i32
      %gather3A_336 = tpu.memref_slice %arg11[%select_n3A_124, %gather3A_335] : memref<2x10112xf32, #tpu.memory_space<vmem>> -> memref<1x10112xf32, #tpu.memory_space<vmem>>
      %gather3A_337 = tpu.memref_squeeze %gather3A_336 : memref<1x10112xf32, #tpu.memory_space<vmem>> -> memref<10112xf32, #tpu.memory_space<vmem>>
      %gather3A_338 = tpu.vector_load_idx %gather3A_337[%get3A_328] : memref<10112xf32, #tpu.memory_space<vmem>>[vector<16xi32>], vector<16xf32>,
      %add3A_339 = arith.addf %get3A_334, %gather3A_338 : vector<16xf32>
      %gather3A_340 = arith.constant 0 : i32
      %gather3A_341 = tpu.memref_slice %arg11[%select_n3A_124, %gather3A_340] : memref<2x10112xf32, #tpu.memory_space<vmem>> -> memref<1x10112xf32, #tpu.memory_space<vmem>>
      %gather3A_342 = tpu.memref_squeeze %gather3A_341 : memref<1x10112xf32, #tpu.memory_space<vmem>> -> memref<10112xf32, #tpu.memory_space<vmem>>
      %gather3A_343 = tpu.vector_load_idx %gather3A_342[%get3A_330] : memref<10112xf32, #tpu.memory_space<vmem>>[vector<16xi32>], vector<16xf32>,
      %add3A_344 = arith.addf %add3A_339, %gather3A_343 : vector<16xf32>
      %swap3A_345 = arith.index_cast %select_n3A_124 : i32 to index
      %swap3A_346 = arith.index_cast %select_n3A_108 : i32 to index
      %swap3A_347 = arith.constant 96 : index
      %swap3A_348 = tpu.vector_load %arg13[%swap3A_345, %swap3A_346, %swap3A_347] {strides = array<i32>} : memref<2x78x128xf32, #tpu.memory_space<vmem>>, vector<16xf32>,
      tpu.vector_store %arg13[%swap3A_345, %swap3A_346, %swap3A_347], %add3A_344 {strides = array<i32>} : memref<2x78x128xf32, #tpu.memory_space<vmem>>, vector<16xf32>,
      %mul3A_349 = arith.constant 128 : i32
      %mul3A_350 = arith.muli %select_n3A_108, %mul3A_349 : i32
      %add3A_351 = arith.constant 112 : i32
      %add3A_352 = arith.addi %mul3A_350, %add3A_351 : i32
      %get3A_353 = arith.index_cast %add3A_352 : i32 to index
      %get3A_354 = tpu.vector_load %arg7[%get3A_353] {strides = array<i32>} : memref<9984xi32, #tpu.memory_space<vmem>>, vector<16xi32>,
      %get3A_355 = arith.index_cast %add3A_352 : i32 to index
      %get3A_356 = tpu.vector_load %arg8[%get3A_355] {strides = array<i32>} : memref<9984xi32, #tpu.memory_space<vmem>>, vector<16xi32>,
      %get3A_357 = arith.index_cast %select_n3A_124 : i32 to index
      %get3A_358 = arith.index_cast %select_n3A_108 : i32 to index
      %get3A_359 = arith.constant 112 : index
      %get3A_360 = tpu.vector_load %arg12[%get3A_357, %get3A_358, %get3A_359] {strides = array<i32>} : memref<2x78x128xf32, #tpu.memory_space<vmem>>, vector<16xf32>,
      %gather3A_361 = arith.constant 0 : i32
      %gather3A_362 = tpu.memref_slice %arg11[%select_n3A_124, %gather3A_361] : memref<2x10112xf32, #tpu.memory_space<vmem>> -> memref<1x10112xf32, #tpu.memory_space<vmem>>
      %gather3A_363 = tpu.memref_squeeze %gather3A_362 : memref<1x10112xf32, #tpu.memory_space<vmem>> -> memref<10112xf32, #tpu.memory_space<vmem>>
      %gather3A_364 = tpu.vector_load_idx %gather3A_363[%get3A_354] : memref<10112xf32, #tpu.memory_space<vmem>>[vector<16xi32>], vector<16xf32>,
      %add3A_365 = arith.addf %get3A_360, %gather3A_364 : vector<16xf32>
      %gather3A_366 = arith.constant 0 : i32
      %gather3A_367 = tpu.memref_slice %arg11[%select_n3A_124, %gather3A_366] : memref<2x10112xf32, #tpu.memory_space<vmem>> -> memref<1x10112xf32, #tpu.memory_space<vmem>>
      %gather3A_368 = tpu.memref_squeeze %gather3A_367 : memref<1x10112xf32, #tpu.memory_space<vmem>> -> memref<10112xf32, #tpu.memory_space<vmem>>
      %gather3A_369 = tpu.vector_load_idx %gather3A_368[%get3A_356] : memref<10112xf32, #tpu.memory_space<vmem>>[vector<16xi32>], vector<16xf32>,
      %add3A_370 = arith.addf %add3A_365, %gather3A_369 : vector<16xf32>
      %swap3A_371 = arith.index_cast %select_n3A_124 : i32 to index
      %swap3A_372 = arith.index_cast %select_n3A_108 : i32 to index
      %swap3A_373 = arith.constant 112 : index
      %swap3A_374 = tpu.vector_load %arg13[%swap3A_371, %swap3A_372, %swap3A_373] {strides = array<i32>} : memref<2x78x128xf32, #tpu.memory_space<vmem>>, vector<16xf32>,
      tpu.vector_store %arg13[%swap3A_371, %swap3A_372, %swap3A_373], %add3A_370 {strides = array<i32>} : memref<2x78x128xf32, #tpu.memory_space<vmem>>, vector<16xf32>,
      %eq3A_375 = arith.constant 77 : i32
      %eq3A_376 = arith.cmpi eq, %select_n3A_108, %eq3A_375 : i32
      %convert_element_type3A_377 = arith.extui %eq3A_376 : i1 to i32
      %cond3A_378 = arith.constant 0 : i32
      %cond3A_379 = arith.cmpi ne, %convert_element_type3A_377, %cond3A_378 : i32
      scf.if %cond3A_379 {
        %lt3A_380 = arith.constant 4 : i32
        %lt3A_381 = arith.cmpi slt, %add3A, %lt3A_380 : i32
        %convert_element_type3A_382 = arith.extui %lt3A_381 : i1 to i32
        %cond3A_383 = arith.constant 0 : i32
        %cond3A_384 = arith.cmpi ne, %convert_element_type3A_382, %cond3A_383 : i32
        scf.if %cond3A_384 {
          "tpu.region"() ({
            %run_scoped3A = tpu.sem_alloc : memref<!tpu.dma_semaphore, #tpu.memory_space<semaphore_mem>>
            %dma_start3A_539 = arith.constant 0 : i32
            %dma_start3A_540 = tpu.memref_slice %arg3[%select_n3A_148, %add3A, %select_n3A_164, %dma_start3A_539] : memref<2x2500x8x128xf32, #tpu.memory_space<hbm>> -> memref<1x1x1x128xf32, #tpu.memory_space<hbm>>
            %dma_start3A_541 = tpu.memref_squeeze %dma_start3A_540 : memref<1x1x1x128xf32, #tpu.memory_space<hbm>> -> memref<128xf32, #tpu.memory_space<hbm>>
            %dma_start3A_542 = arith.constant 0 : i32
            %dma_start3A_543 = tpu.memref_slice %arg3[%select_n3A_148, %add3A, %select_n3A_164, %dma_start3A_542] : memref<2x2500x8x128xf32, #tpu.memory_space<hbm>> -> memref<1x1x1x128xf32, #tpu.memory_space<hbm>>
            %dma_start3A_544 = tpu.memref_squeeze %dma_start3A_543 : memref<1x1x1x128xf32, #tpu.memory_space<hbm>> -> memref<128xf32, #tpu.memory_space<hbm>>
            tpu.enqueue_dma source(%dma_start3A_544 : memref<128xf32, #tpu.memory_space<hbm>>) target(%arg14 : memref<128xf32, #tpu.memory_space<vmem>>) target_semaphore(%run_scoped3A : memref<!tpu.dma_semaphore, #tpu.memory_space<semaphore_mem>>)
            %dma_wait3A_545 = arith.constant 0 : i32
            %dma_wait3A_546 = tpu.memref_slice %arg3[%select_n3A_148, %add3A, %select_n3A_164, %dma_wait3A_545] : memref<2x2500x8x128xf32, #tpu.memory_space<hbm>> -> memref<1x1x1x128xf32, #tpu.memory_space<hbm>>
            %dma_wait3A_547 = tpu.memref_squeeze %dma_wait3A_546 : memref<1x1x1x128xf32, #tpu.memory_space<hbm>> -> memref<128xf32, #tpu.memory_space<hbm>>
            %dma_wait3A_548 = arith.constant 0 : i32
            %dma_wait3A_549 = tpu.memref_slice %arg3[%select_n3A_148, %add3A, %select_n3A_164, %dma_wait3A_548] : memref<2x2500x8x128xf32, #tpu.memory_space<hbm>> -> memref<1x1x1x128xf32, #tpu.memory_space<hbm>>
            %dma_wait3A_550 = tpu.memref_squeeze %dma_wait3A_549 : memref<1x1x1x128xf32, #tpu.memory_space<hbm>> -> memref<128xf32, #tpu.memory_space<hbm>>
            tpu.wait_dma2 semaphore(%run_scoped3A : memref<!tpu.dma_semaphore, #tpu.memory_space<semaphore_mem>>) src(%dma_wait3A_550 : memref<128xf32, #tpu.memory_space<hbm>>) dst(%arg14 : memref<128xf32, #tpu.memory_space<vmem>>)
            tpu.yield
          }) : () -> ()
          %get3A_395 = arith.constant 0 : index
          %get3A_396 = tpu.vector_load %arg9[%get3A_395] {strides = array<i32>} : memref<128xi32, #tpu.memory_space<vmem>>, vector<16xi32>,
          %get3A_397 = arith.constant 0 : index
          %get3A_398 = tpu.vector_load %arg10[%get3A_397] {strides = array<i32>} : memref<128xi32, #tpu.memory_space<vmem>>, vector<16xi32>,
          %get3A_399 = arith.constant 0 : index
          %get3A_400 = tpu.vector_load %arg14[%get3A_399] {strides = array<i32>} : memref<128xf32, #tpu.memory_space<vmem>>, vector<16xf32>,
          %gather3A_401 = arith.constant 0 : i32
          %gather3A_402 = tpu.memref_slice %arg11[%select_n3A_124, %gather3A_401] : memref<2x10112xf32, #tpu.memory_space<vmem>> -> memref<1x10112xf32, #tpu.memory_space<vmem>>
          %gather3A_403 = tpu.memref_squeeze %gather3A_402 : memref<1x10112xf32, #tpu.memory_space<vmem>> -> memref<10112xf32, #tpu.memory_space<vmem>>
          %gather3A_404 = tpu.vector_load_idx %gather3A_403[%get3A_396] : memref<10112xf32, #tpu.memory_space<vmem>>[vector<16xi32>], vector<16xf32>,
          %add3A_405 = arith.addf %get3A_400, %gather3A_404 : vector<16xf32>
          %gather3A_406 = arith.constant 0 : i32
          %gather3A_407 = tpu.memref_slice %arg11[%select_n3A_124, %gather3A_406] : memref<2x10112xf32, #tpu.memory_space<vmem>> -> memref<1x10112xf32, #tpu.memory_space<vmem>>
          %gather3A_408 = tpu.memref_squeeze %gather3A_407 : memref<1x10112xf32, #tpu.memory_space<vmem>> -> memref<10112xf32, #tpu.memory_space<vmem>>
          %gather3A_409 = tpu.vector_load_idx %gather3A_408[%get3A_398] : memref<10112xf32, #tpu.memory_space<vmem>>[vector<16xi32>], vector<16xf32>,
          %add3A_410 = arith.addf %add3A_405, %gather3A_409 : vector<16xf32>
          %swap3A_411 = arith.constant 0 : index
          %swap3A_412 = tpu.vector_load %arg14[%swap3A_411] {strides = array<i32>} : memref<128xf32, #tpu.memory_space<vmem>>, vector<16xf32>,
          tpu.vector_store %arg14[%swap3A_411], %add3A_410 {strides = array<i32>} : memref<128xf32, #tpu.memory_space<vmem>>, vector<16xf32>,
          %get3A_413 = arith.constant 16 : index
          %get3A_414 = tpu.vector_load %arg9[%get3A_413] {strides = array<i32>} : memref<128xi32, #tpu.memory_space<vmem>>, vector<16xi32>,
          %get3A_415 = arith.constant 16 : index
          %get3A_416 = tpu.vector_load %arg10[%get3A_415] {strides = array<i32>} : memref<128xi32, #tpu.memory_space<vmem>>, vector<16xi32>,
          %get3A_417 = arith.constant 16 : index
          %get3A_418 = tpu.vector_load %arg14[%get3A_417] {strides = array<i32>} : memref<128xf32, #tpu.memory_space<vmem>>, vector<16xf32>,
          %gather3A_419 = arith.constant 0 : i32
          %gather3A_420 = tpu.memref_slice %arg11[%select_n3A_124, %gather3A_419] : memref<2x10112xf32, #tpu.memory_space<vmem>> -> memref<1x10112xf32, #tpu.memory_space<vmem>>
          %gather3A_421 = tpu.memref_squeeze %gather3A_420 : memref<1x10112xf32, #tpu.memory_space<vmem>> -> memref<10112xf32, #tpu.memory_space<vmem>>
          %gather3A_422 = tpu.vector_load_idx %gather3A_421[%get3A_414] : memref<10112xf32, #tpu.memory_space<vmem>>[vector<16xi32>], vector<16xf32>,
          %add3A_423 = arith.addf %get3A_418, %gather3A_422 : vector<16xf32>
          %gather3A_424 = arith.constant 0 : i32
          %gather3A_425 = tpu.memref_slice %arg11[%select_n3A_124, %gather3A_424] : memref<2x10112xf32, #tpu.memory_space<vmem>> -> memref<1x10112xf32, #tpu.memory_space<vmem>>
          %gather3A_426 = tpu.memref_squeeze %gather3A_425 : memref<1x10112xf32, #tpu.memory_space<vmem>> -> memref<10112xf32, #tpu.memory_space<vmem>>
          %gather3A_427 = tpu.vector_load_idx %gather3A_426[%get3A_416] : memref<10112xf32, #tpu.memory_space<vmem>>[vector<16xi32>], vector<16xf32>,
          %add3A_428 = arith.addf %add3A_423, %gather3A_427 : vector<16xf32>
          %swap3A_429 = arith.constant 16 : index
          %swap3A_430 = tpu.vector_load %arg14[%swap3A_429] {strides = array<i32>} : memref<128xf32, #tpu.memory_space<vmem>>, vector<16xf32>,
          tpu.vector_store %arg14[%swap3A_429], %add3A_428 {strides = array<i32>} : memref<128xf32, #tpu.memory_space<vmem>>, vector<16xf32>,
          %get3A_431 = arith.constant 32 : index
          %get3A_432 = tpu.vector_load %arg9[%get3A_431] {strides = array<i32>} : memref<128xi32, #tpu.memory_space<vmem>>, vector<16xi32>,
          %get3A_433 = arith.constant 32 : index
          %get3A_434 = tpu.vector_load %arg10[%get3A_433] {strides = array<i32>} : memref<128xi32, #tpu.memory_space<vmem>>, vector<16xi32>,
          %get3A_435 = arith.constant 32 : index
          %get3A_436 = tpu.vector_load %arg14[%get3A_435] {strides = array<i32>} : memref<128xf32, #tpu.memory_space<vmem>>, vector<16xf32>,
          %gather3A_437 = arith.constant 0 : i32
          %gather3A_438 = tpu.memref_slice %arg11[%select_n3A_124, %gather3A_437] : memref<2x10112xf32, #tpu.memory_space<vmem>> -> memref<1x10112xf32, #tpu.memory_space<vmem>>
          %gather3A_439 = tpu.memref_squeeze %gather3A_438 : memref<1x10112xf32, #tpu.memory_space<vmem>> -> memref<10112xf32, #tpu.memory_space<vmem>>
          %gather3A_440 = tpu.vector_load_idx %gather3A_439[%get3A_432] : memref<10112xf32, #tpu.memory_space<vmem>>[vector<16xi32>], vector<16xf32>,
          %add3A_441 = arith.addf %get3A_436, %gather3A_440 : vector<16xf32>
          %gather3A_442 = arith.constant 0 : i32
          %gather3A_443 = tpu.memref_slice %arg11[%select_n3A_124, %gather3A_442] : memref<2x10112xf32, #tpu.memory_space<vmem>> -> memref<1x10112xf32, #tpu.memory_space<vmem>>
          %gather3A_444 = tpu.memref_squeeze %gather3A_443 : memref<1x10112xf32, #tpu.memory_space<vmem>> -> memref<10112xf32, #tpu.memory_space<vmem>>
          %gather3A_445 = tpu.vector_load_idx %gather3A_444[%get3A_434] : memref<10112xf32, #tpu.memory_space<vmem>>[vector<16xi32>], vector<16xf32>,
          %add3A_446 = arith.addf %add3A_441, %gather3A_445 : vector<16xf32>
          %swap3A_447 = arith.constant 32 : index
          %swap3A_448 = tpu.vector_load %arg14[%swap3A_447] {strides = array<i32>} : memref<128xf32, #tpu.memory_space<vmem>>, vector<16xf32>,
          tpu.vector_store %arg14[%swap3A_447], %add3A_446 {strides = array<i32>} : memref<128xf32, #tpu.memory_space<vmem>>, vector<16xf32>,
          %get3A_449 = arith.constant 48 : index
          %get3A_450 = tpu.vector_load %arg9[%get3A_449] {strides = array<i32>} : memref<128xi32, #tpu.memory_space<vmem>>, vector<16xi32>,
          %get3A_451 = arith.constant 48 : index
          %get3A_452 = tpu.vector_load %arg10[%get3A_451] {strides = array<i32>} : memref<128xi32, #tpu.memory_space<vmem>>, vector<16xi32>,
          %get3A_453 = arith.constant 48 : index
          %get3A_454 = tpu.vector_load %arg14[%get3A_453] {strides = array<i32>} : memref<128xf32, #tpu.memory_space<vmem>>, vector<16xf32>,
          %gather3A_455 = arith.constant 0 : i32
          %gather3A_456 = tpu.memref_slice %arg11[%select_n3A_124, %gather3A_455] : memref<2x10112xf32, #tpu.memory_space<vmem>> -> memref<1x10112xf32, #tpu.memory_space<vmem>>
          %gather3A_457 = tpu.memref_squeeze %gather3A_456 : memref<1x10112xf32, #tpu.memory_space<vmem>> -> memref<10112xf32, #tpu.memory_space<vmem>>
          %gather3A_458 = tpu.vector_load_idx %gather3A_457[%get3A_450] : memref<10112xf32, #tpu.memory_space<vmem>>[vector<16xi32>], vector<16xf32>,
          %add3A_459 = arith.addf %get3A_454, %gather3A_458 : vector<16xf32>
          %gather3A_460 = arith.constant 0 : i32
          %gather3A_461 = tpu.memref_slice %arg11[%select_n3A_124, %gather3A_460] : memref<2x10112xf32, #tpu.memory_space<vmem>> -> memref<1x10112xf32, #tpu.memory_space<vmem>>
          %gather3A_462 = tpu.memref_squeeze %gather3A_461 : memref<1x10112xf32, #tpu.memory_space<vmem>> -> memref<10112xf32, #tpu.memory_space<vmem>>
          %gather3A_463 = tpu.vector_load_idx %gather3A_462[%get3A_452] : memref<10112xf32, #tpu.memory_space<vmem>>[vector<16xi32>], vector<16xf32>,
          %add3A_464 = arith.addf %add3A_459, %gather3A_463 : vector<16xf32>
          %swap3A_465 = arith.constant 48 : index
          %swap3A_466 = tpu.vector_load %arg14[%swap3A_465] {strides = array<i32>} : memref<128xf32, #tpu.memory_space<vmem>>, vector<16xf32>,
          tpu.vector_store %arg14[%swap3A_465], %add3A_464 {strides = array<i32>} : memref<128xf32, #tpu.memory_space<vmem>>, vector<16xf32>,
          %get3A_467 = arith.constant 64 : index
          %get3A_468 = tpu.vector_load %arg9[%get3A_467] {strides = array<i32>} : memref<128xi32, #tpu.memory_space<vmem>>, vector<16xi32>,
          %get3A_469 = arith.constant 64 : index
          %get3A_470 = tpu.vector_load %arg10[%get3A_469] {strides = array<i32>} : memref<128xi32, #tpu.memory_space<vmem>>, vector<16xi32>,
          %get3A_471 = arith.constant 64 : index
          %get3A_472 = tpu.vector_load %arg14[%get3A_471] {strides = array<i32>} : memref<128xf32, #tpu.memory_space<vmem>>, vector<16xf32>,
          %gather3A_473 = arith.constant 0 : i32
          %gather3A_474 = tpu.memref_slice %arg11[%select_n3A_124, %gather3A_473] : memref<2x10112xf32, #tpu.memory_space<vmem>> -> memref<1x10112xf32, #tpu.memory_space<vmem>>
          %gather3A_475 = tpu.memref_squeeze %gather3A_474 : memref<1x10112xf32, #tpu.memory_space<vmem>> -> memref<10112xf32, #tpu.memory_space<vmem>>
          %gather3A_476 = tpu.vector_load_idx %gather3A_475[%get3A_468] : memref<10112xf32, #tpu.memory_space<vmem>>[vector<16xi32>], vector<16xf32>,
          %add3A_477 = arith.addf %get3A_472, %gather3A_476 : vector<16xf32>
          %gather3A_478 = arith.constant 0 : i32
          %gather3A_479 = tpu.memref_slice %arg11[%select_n3A_124, %gather3A_478] : memref<2x10112xf32, #tpu.memory_space<vmem>> -> memref<1x10112xf32, #tpu.memory_space<vmem>>
          %gather3A_480 = tpu.memref_squeeze %gather3A_479 : memref<1x10112xf32, #tpu.memory_space<vmem>> -> memref<10112xf32, #tpu.memory_space<vmem>>
          %gather3A_481 = tpu.vector_load_idx %gather3A_480[%get3A_470] : memref<10112xf32, #tpu.memory_space<vmem>>[vector<16xi32>], vector<16xf32>,
          %add3A_482 = arith.addf %add3A_477, %gather3A_481 : vector<16xf32>
          %swap3A_483 = arith.constant 64 : index
          %swap3A_484 = tpu.vector_load %arg14[%swap3A_483] {strides = array<i32>} : memref<128xf32, #tpu.memory_space<vmem>>, vector<16xf32>,
          tpu.vector_store %arg14[%swap3A_483], %add3A_482 {strides = array<i32>} : memref<128xf32, #tpu.memory_space<vmem>>, vector<16xf32>,
          %get3A_485 = arith.constant 80 : index
          %get3A_486 = tpu.vector_load %arg9[%get3A_485] {strides = array<i32>} : memref<128xi32, #tpu.memory_space<vmem>>, vector<16xi32>,
          %get3A_487 = arith.constant 80 : index
          %get3A_488 = tpu.vector_load %arg10[%get3A_487] {strides = array<i32>} : memref<128xi32, #tpu.memory_space<vmem>>, vector<16xi32>,
          %get3A_489 = arith.constant 80 : index
          %get3A_490 = tpu.vector_load %arg14[%get3A_489] {strides = array<i32>} : memref<128xf32, #tpu.memory_space<vmem>>, vector<16xf32>,
          %gather3A_491 = arith.constant 0 : i32
          %gather3A_492 = tpu.memref_slice %arg11[%select_n3A_124, %gather3A_491] : memref<2x10112xf32, #tpu.memory_space<vmem>> -> memref<1x10112xf32, #tpu.memory_space<vmem>>
          %gather3A_493 = tpu.memref_squeeze %gather3A_492 : memref<1x10112xf32, #tpu.memory_space<vmem>> -> memref<10112xf32, #tpu.memory_space<vmem>>
          %gather3A_494 = tpu.vector_load_idx %gather3A_493[%get3A_486] : memref<10112xf32, #tpu.memory_space<vmem>>[vector<16xi32>], vector<16xf32>,
          %add3A_495 = arith.addf %get3A_490, %gather3A_494 : vector<16xf32>
          %gather3A_496 = arith.constant 0 : i32
          %gather3A_497 = tpu.memref_slice %arg11[%select_n3A_124, %gather3A_496] : memref<2x10112xf32, #tpu.memory_space<vmem>> -> memref<1x10112xf32, #tpu.memory_space<vmem>>
          %gather3A_498 = tpu.memref_squeeze %gather3A_497 : memref<1x10112xf32, #tpu.memory_space<vmem>> -> memref<10112xf32, #tpu.memory_space<vmem>>
          %gather3A_499 = tpu.vector_load_idx %gather3A_498[%get3A_488] : memref<10112xf32, #tpu.memory_space<vmem>>[vector<16xi32>], vector<16xf32>,
          %add3A_500 = arith.addf %add3A_495, %gather3A_499 : vector<16xf32>
          %swap3A_501 = arith.constant 80 : index
          %swap3A_502 = tpu.vector_load %arg14[%swap3A_501] {strides = array<i32>} : memref<128xf32, #tpu.memory_space<vmem>>, vector<16xf32>,
          tpu.vector_store %arg14[%swap3A_501], %add3A_500 {strides = array<i32>} : memref<128xf32, #tpu.memory_space<vmem>>, vector<16xf32>,
          %get3A_503 = arith.constant 96 : index
          %get3A_504 = tpu.vector_load %arg9[%get3A_503] {strides = array<i32>} : memref<128xi32, #tpu.memory_space<vmem>>, vector<16xi32>,
          %get3A_505 = arith.constant 96 : index
          %get3A_506 = tpu.vector_load %arg10[%get3A_505] {strides = array<i32>} : memref<128xi32, #tpu.memory_space<vmem>>, vector<16xi32>,
          %get3A_507 = arith.constant 96 : index
          %get3A_508 = tpu.vector_load %arg14[%get3A_507] {strides = array<i32>} : memref<128xf32, #tpu.memory_space<vmem>>, vector<16xf32>,
          %gather3A_509 = arith.constant 0 : i32
          %gather3A_510 = tpu.memref_slice %arg11[%select_n3A_124, %gather3A_509] : memref<2x10112xf32, #tpu.memory_space<vmem>> -> memref<1x10112xf32, #tpu.memory_space<vmem>>
          %gather3A_511 = tpu.memref_squeeze %gather3A_510 : memref<1x10112xf32, #tpu.memory_space<vmem>> -> memref<10112xf32, #tpu.memory_space<vmem>>
          %gather3A_512 = tpu.vector_load_idx %gather3A_511[%get3A_504] : memref<10112xf32, #tpu.memory_space<vmem>>[vector<16xi32>], vector<16xf32>,
          %add3A_513 = arith.addf %get3A_508, %gather3A_512 : vector<16xf32>
          %gather3A_514 = arith.constant 0 : i32
          %gather3A_515 = tpu.memref_slice %arg11[%select_n3A_124, %gather3A_514] : memref<2x10112xf32, #tpu.memory_space<vmem>> -> memref<1x10112xf32, #tpu.memory_space<vmem>>
          %gather3A_516 = tpu.memref_squeeze %gather3A_515 : memref<1x10112xf32, #tpu.memory_space<vmem>> -> memref<10112xf32, #tpu.memory_space<vmem>>
          %gather3A_517 = tpu.vector_load_idx %gather3A_516[%get3A_506] : memref<10112xf32, #tpu.memory_space<vmem>>[vector<16xi32>], vector<16xf32>,
          %add3A_518 = arith.addf %add3A_513, %gather3A_517 : vector<16xf32>
          %swap3A_519 = arith.constant 96 : index
          %swap3A_520 = tpu.vector_load %arg14[%swap3A_519] {strides = array<i32>} : memref<128xf32, #tpu.memory_space<vmem>>, vector<16xf32>,
          tpu.vector_store %arg14[%swap3A_519], %add3A_518 {strides = array<i32>} : memref<128xf32, #tpu.memory_space<vmem>>, vector<16xf32>,
          %get3A_521 = arith.constant 112 : index
          %get3A_522 = tpu.vector_load %arg9[%get3A_521] {strides = array<i32>} : memref<128xi32, #tpu.memory_space<vmem>>, vector<16xi32>,
          %get3A_523 = arith.constant 112 : index
          %get3A_524 = tpu.vector_load %arg10[%get3A_523] {strides = array<i32>} : memref<128xi32, #tpu.memory_space<vmem>>, vector<16xi32>,
          %get3A_525 = arith.constant 112 : index
          %get3A_526 = tpu.vector_load %arg14[%get3A_525] {strides = array<i32>} : memref<128xf32, #tpu.memory_space<vmem>>, vector<16xf32>,
          %gather3A_527 = arith.constant 0 : i32
          %gather3A_528 = tpu.memref_slice %arg11[%select_n3A_124, %gather3A_527] : memref<2x10112xf32, #tpu.memory_space<vmem>> -> memref<1x10112xf32, #tpu.memory_space<vmem>>
          %gather3A_529 = tpu.memref_squeeze %gather3A_528 : memref<1x10112xf32, #tpu.memory_space<vmem>> -> memref<10112xf32, #tpu.memory_space<vmem>>
          %gather3A_530 = tpu.vector_load_idx %gather3A_529[%get3A_522] : memref<10112xf32, #tpu.memory_space<vmem>>[vector<16xi32>], vector<16xf32>,
          %add3A_531 = arith.addf %get3A_526, %gather3A_530 : vector<16xf32>
          %gather3A_532 = arith.constant 0 : i32
          %gather3A_533 = tpu.memref_slice %arg11[%select_n3A_124, %gather3A_532] : memref<2x10112xf32, #tpu.memory_space<vmem>> -> memref<1x10112xf32, #tpu.memory_space<vmem>>
          %gather3A_534 = tpu.memref_squeeze %gather3A_533 : memref<1x10112xf32, #tpu.memory_space<vmem>> -> memref<10112xf32, #tpu.memory_space<vmem>>
          %gather3A_535 = tpu.vector_load_idx %gather3A_534[%get3A_524] : memref<10112xf32, #tpu.memory_space<vmem>>[vector<16xi32>], vector<16xf32>,
          %add3A_536 = arith.addf %add3A_531, %gather3A_535 : vector<16xf32>
          %swap3A_537 = arith.constant 112 : index
          %swap3A_538 = tpu.vector_load %arg14[%swap3A_537] {strides = array<i32>} : memref<128xf32, #tpu.memory_space<vmem>>, vector<16xf32>,
          tpu.vector_store %arg14[%swap3A_537], %add3A_536 {strides = array<i32>} : memref<128xf32, #tpu.memory_space<vmem>>, vector<16xf32>,
          "tpu.region"() ({
            %run_scoped3A = tpu.sem_alloc : memref<!tpu.dma_semaphore, #tpu.memory_space<semaphore_mem>>
            %dma_start3A_539 = arith.constant 0 : i32
            %dma_start3A_540 = tpu.memref_slice %arg6[%select_n3A_148, %add3A, %select_n3A_164, %dma_start3A_539] : memref<2x2500x8x128xf32, #tpu.memory_space<hbm>> -> memref<1x1x1x128xf32, #tpu.memory_space<hbm>>
            %dma_start3A_541 = tpu.memref_squeeze %dma_start3A_540 : memref<1x1x1x128xf32, #tpu.memory_space<hbm>> -> memref<128xf32, #tpu.memory_space<hbm>>
            %dma_start3A_542 = arith.constant 0 : i32
            %dma_start3A_543 = tpu.memref_slice %arg6[%select_n3A_148, %add3A, %select_n3A_164, %dma_start3A_542] : memref<2x2500x8x128xf32, #tpu.memory_space<hbm>> -> memref<1x1x1x128xf32, #tpu.memory_space<hbm>>
            %dma_start3A_544 = tpu.memref_squeeze %dma_start3A_543 : memref<1x1x1x128xf32, #tpu.memory_space<hbm>> -> memref<128xf32, #tpu.memory_space<hbm>>
            tpu.enqueue_dma source(%arg14 : memref<128xf32, #tpu.memory_space<vmem>>) target(%dma_start3A_544 : memref<128xf32, #tpu.memory_space<hbm>>) target_semaphore(%run_scoped3A : memref<!tpu.dma_semaphore, #tpu.memory_space<semaphore_mem>>)
            %dma_wait3A_545 = arith.constant 0 : i32
            %dma_wait3A_546 = tpu.memref_slice %arg6[%select_n3A_148, %add3A, %select_n3A_164, %dma_wait3A_545] : memref<2x2500x8x128xf32, #tpu.memory_space<hbm>> -> memref<1x1x1x128xf32, #tpu.memory_space<hbm>>
            %dma_wait3A_547 = tpu.memref_squeeze %dma_wait3A_546 : memref<1x1x1x128xf32, #tpu.memory_space<hbm>> -> memref<128xf32, #tpu.memory_space<hbm>>
            %dma_wait3A_548 = arith.constant 0 : i32
            %dma_wait3A_549 = tpu.memref_slice %arg6[%select_n3A_148, %add3A, %select_n3A_164, %dma_wait3A_548] : memref<2x2500x8x128xf32, #tpu.memory_space<hbm>> -> memref<1x1x1x128xf32, #tpu.memory_space<hbm>>
            %dma_wait3A_550 = tpu.memref_squeeze %dma_wait3A_549 : memref<1x1x1x128xf32, #tpu.memory_space<hbm>> -> memref<128xf32, #tpu.memory_space<hbm>>
            tpu.wait_dma2 semaphore(%run_scoped3A : memref<!tpu.dma_semaphore, #tpu.memory_space<semaphore_mem>>) src(%arg14 : memref<128xf32, #tpu.memory_space<vmem>>) dst(%dma_wait3A_550 : memref<128xf32, #tpu.memory_space<hbm>>)
            tpu.yield
          }) : () -> ()
        } else {
        }
        %eq3A_385 = arith.constant 0 : i32
        %eq3A_386 = arith.cmpi eq, %select_n3A_124, %eq3A_385 : i32
        %convert_element_type3A_387 = arith.extui %eq3A_386 : i1 to i32
        %cond3A_388 = arith.constant 0 : i32
        %cond3A_389 = arith.cmpi ne, %convert_element_type3A_387, %cond3A_388 : i32
        scf.if %cond3A_389 {
          %dma_start3A_395 = arith.constant 0 : i32
          %dma_start3A_396 = arith.constant 0 : i32
          %dma_start3A_397 = arith.constant 0 : i32
          %dma_start3A_398 = tpu.memref_slice %arg13[%dma_start3A_395, %dma_start3A_396, %dma_start3A_397] : memref<2x78x128xf32, #tpu.memory_space<vmem>> -> memref<1x78x128xf32, #tpu.memory_space<vmem>>
          %dma_start3A_399 = tpu.memref_squeeze %dma_start3A_398 : memref<1x78x128xf32, #tpu.memory_space<vmem>> -> memref<78x128xf32, #tpu.memory_space<vmem>>
          %dma_start3A_400 = arith.constant 0 : i32
          %dma_start3A_401 = tpu.memref_slice %arg6[%select_n3A_148, %add3A_4, %select_n3A_164, %dma_start3A_400] : memref<2x2500x8x128xf32, #tpu.memory_space<hbm>> -> memref<1x78x1x128xf32, #tpu.memory_space<hbm>>
          %dma_start3A_402 = tpu.memref_squeeze %dma_start3A_401 : memref<1x78x1x128xf32, #tpu.memory_space<hbm>> -> memref<78x128xf32, #tpu.memory_space<hbm>>
          %dma_start3A_403 = arith.constant 0 : i32
          %dma_start3A_404 = tpu.memref_slice %arg6[%select_n3A_148, %add3A_4, %select_n3A_164, %dma_start3A_403] : memref<2x2500x8x128xf32, #tpu.memory_space<hbm>> -> memref<1x78x1x128xf32, #tpu.memory_space<hbm>>
          %dma_start3A_405 = tpu.memref_squeeze %dma_start3A_404 : memref<1x78x1x128xf32, #tpu.memory_space<hbm>> -> memref<78x128xf32, #tpu.memory_space<hbm>>
          %dma_start3A_406 = arith.constant 0 : i32
          %dma_start3A_407 = arith.constant 0 : i32
          %dma_start3A_408 = tpu.memref_slice %arg13[%dma_start3A_395, %dma_start3A_406, %dma_start3A_407] : memref<2x78x128xf32, #tpu.memory_space<vmem>> -> memref<1x78x128xf32, #tpu.memory_space<vmem>>
          %dma_start3A_409 = tpu.memref_squeeze %dma_start3A_408 : memref<1x78x128xf32, #tpu.memory_space<vmem>> -> memref<78x128xf32, #tpu.memory_space<vmem>>
          tpu.enqueue_dma source(%dma_start3A_409 : memref<78x128xf32, #tpu.memory_space<vmem>>) target(%dma_start3A_405 : memref<78x128xf32, #tpu.memory_space<hbm>>) target_semaphore(%arg17 : memref<!tpu.dma_semaphore, #tpu.memory_space<semaphore_mem>>)
        } else {
        }
        %eq3A_390 = arith.constant 1 : i32
        %eq3A_391 = arith.cmpi eq, %select_n3A_124, %eq3A_390 : i32
        %convert_element_type3A_392 = arith.extui %eq3A_391 : i1 to i32
        %cond3A_393 = arith.constant 0 : i32
        %cond3A_394 = arith.cmpi ne, %convert_element_type3A_392, %cond3A_393 : i32
        scf.if %cond3A_394 {
          %dma_start3A_395 = arith.constant 1 : i32
          %dma_start3A_396 = arith.constant 0 : i32
          %dma_start3A_397 = arith.constant 0 : i32
          %dma_start3A_398 = tpu.memref_slice %arg13[%dma_start3A_395, %dma_start3A_396, %dma_start3A_397] : memref<2x78x128xf32, #tpu.memory_space<vmem>> -> memref<1x78x128xf32, #tpu.memory_space<vmem>>
          %dma_start3A_399 = tpu.memref_squeeze %dma_start3A_398 : memref<1x78x128xf32, #tpu.memory_space<vmem>> -> memref<78x128xf32, #tpu.memory_space<vmem>>
          %dma_start3A_400 = arith.constant 0 : i32
          %dma_start3A_401 = tpu.memref_slice %arg6[%select_n3A_148, %add3A_4, %select_n3A_164, %dma_start3A_400] : memref<2x2500x8x128xf32, #tpu.memory_space<hbm>> -> memref<1x78x1x128xf32, #tpu.memory_space<hbm>>
          %dma_start3A_402 = tpu.memref_squeeze %dma_start3A_401 : memref<1x78x1x128xf32, #tpu.memory_space<hbm>> -> memref<78x128xf32, #tpu.memory_space<hbm>>
          %dma_start3A_403 = arith.constant 0 : i32
          %dma_start3A_404 = tpu.memref_slice %arg6[%select_n3A_148, %add3A_4, %select_n3A_164, %dma_start3A_403] : memref<2x2500x8x128xf32, #tpu.memory_space<hbm>> -> memref<1x78x1x128xf32, #tpu.memory_space<hbm>>
          %dma_start3A_405 = tpu.memref_squeeze %dma_start3A_404 : memref<1x78x1x128xf32, #tpu.memory_space<hbm>> -> memref<78x128xf32, #tpu.memory_space<hbm>>
          %dma_start3A_406 = arith.constant 0 : i32
          %dma_start3A_407 = arith.constant 0 : i32
          %dma_start3A_408 = tpu.memref_slice %arg13[%dma_start3A_395, %dma_start3A_406, %dma_start3A_407] : memref<2x78x128xf32, #tpu.memory_space<vmem>> -> memref<1x78x128xf32, #tpu.memory_space<vmem>>
          %dma_start3A_409 = tpu.memref_squeeze %dma_start3A_408 : memref<1x78x128xf32, #tpu.memory_space<vmem>> -> memref<78x128xf32, #tpu.memory_space<vmem>>
          tpu.enqueue_dma source(%dma_start3A_409 : memref<78x128xf32, #tpu.memory_space<vmem>>) target(%dma_start3A_405 : memref<78x128xf32, #tpu.memory_space<hbm>>) target_semaphore(%arg18 : memref<!tpu.dma_semaphore, #tpu.memory_space<semaphore_mem>>)
        } else {
        }
      } else {
      }
    }
    %scan3A_43 = arith.constant 1248 : i32
    %dma_wait3A = arith.constant 0 : i32
    %dma_wait3A_44 = arith.constant 1 : i32
    %dma_wait3A_45 = arith.constant 6 : i32
    %dma_wait3A_46 = arith.constant 0 : i32
    %dma_wait3A_47 = arith.constant 0 : i32
    %dma_wait3A_48 = tpu.memref_slice %arg13[%dma_wait3A, %dma_wait3A_46, %dma_wait3A_47] : memref<2x78x128xf32, #tpu.memory_space<vmem>> -> memref<1x78x128xf32, #tpu.memory_space<vmem>>
    %dma_wait3A_49 = tpu.memref_squeeze %dma_wait3A_48 : memref<1x78x128xf32, #tpu.memory_space<vmem>> -> memref<78x128xf32, #tpu.memory_space<vmem>>
    %dma_wait3A_50 = arith.constant 0 : i32
    %dma_wait3A_51 = tpu.memref_slice %arg6[%dma_wait3A_44, %add3A_4, %dma_wait3A_45, %dma_wait3A_50] : memref<2x2500x8x128xf32, #tpu.memory_space<hbm>> -> memref<1x78x1x128xf32, #tpu.memory_space<hbm>>
    %dma_wait3A_52 = tpu.memref_squeeze %dma_wait3A_51 : memref<1x78x1x128xf32, #tpu.memory_space<hbm>> -> memref<78x128xf32, #tpu.memory_space<hbm>>
    %dma_wait3A_53 = arith.constant 0 : i32
    %dma_wait3A_54 = tpu.memref_slice %arg6[%dma_wait3A_44, %add3A_4, %dma_wait3A_45, %dma_wait3A_53] : memref<2x2500x8x128xf32, #tpu.memory_space<hbm>> -> memref<1x78x1x128xf32, #tpu.memory_space<hbm>>
    %dma_wait3A_55 = tpu.memref_squeeze %dma_wait3A_54 : memref<1x78x1x128xf32, #tpu.memory_space<hbm>> -> memref<78x128xf32, #tpu.memory_space<hbm>>
    %dma_wait3A_56 = arith.constant 0 : i32
    %dma_wait3A_57 = arith.constant 0 : i32
    %dma_wait3A_58 = tpu.memref_slice %arg13[%dma_wait3A, %dma_wait3A_56, %dma_wait3A_57] : memref<2x78x128xf32, #tpu.memory_space<vmem>> -> memref<1x78x128xf32, #tpu.memory_space<vmem>>
    %dma_wait3A_59 = tpu.memref_squeeze %dma_wait3A_58 : memref<1x78x128xf32, #tpu.memory_space<vmem>> -> memref<78x128xf32, #tpu.memory_space<vmem>>
    tpu.wait_dma2 semaphore(%arg17 : memref<!tpu.dma_semaphore, #tpu.memory_space<semaphore_mem>>) src(%dma_wait3A_59 : memref<78x128xf32, #tpu.memory_space<vmem>>) dst(%dma_wait3A_55 : memref<78x128xf32, #tpu.memory_space<hbm>>)
    %dma_wait3A_60 = arith.constant 1 : i32
    %dma_wait3A_61 = arith.constant 1 : i32
    %dma_wait3A_62 = arith.constant 7 : i32
    %dma_wait3A_63 = arith.constant 0 : i32
    %dma_wait3A_64 = arith.constant 0 : i32
    %dma_wait3A_65 = tpu.memref_slice %arg13[%dma_wait3A_60, %dma_wait3A_63, %dma_wait3A_64] : memref<2x78x128xf32, #tpu.memory_space<vmem>> -> memref<1x78x128xf32, #tpu.memory_space<vmem>>
    %dma_wait3A_66 = tpu.memref_squeeze %dma_wait3A_65 : memref<1x78x128xf32, #tpu.memory_space<vmem>> -> memref<78x128xf32, #tpu.memory_space<vmem>>
    %dma_wait3A_67 = arith.constant 0 : i32
    %dma_wait3A_68 = tpu.memref_slice %arg6[%dma_wait3A_61, %add3A_4, %dma_wait3A_62, %dma_wait3A_67] : memref<2x2500x8x128xf32, #tpu.memory_space<hbm>> -> memref<1x78x1x128xf32, #tpu.memory_space<hbm>>
    %dma_wait3A_69 = tpu.memref_squeeze %dma_wait3A_68 : memref<1x78x1x128xf32, #tpu.memory_space<hbm>> -> memref<78x128xf32, #tpu.memory_space<hbm>>
    %dma_wait3A_70 = arith.constant 0 : i32
    %dma_wait3A_71 = tpu.memref_slice %arg6[%dma_wait3A_61, %add3A_4, %dma_wait3A_62, %dma_wait3A_70] : memref<2x2500x8x128xf32, #tpu.memory_space<hbm>> -> memref<1x78x1x128xf32, #tpu.memory_space<hbm>>
    %dma_wait3A_72 = tpu.memref_squeeze %dma_wait3A_71 : memref<1x78x1x128xf32, #tpu.memory_space<hbm>> -> memref<78x128xf32, #tpu.memory_space<hbm>>
    %dma_wait3A_73 = arith.constant 0 : i32
    %dma_wait3A_74 = arith.constant 0 : i32
    %dma_wait3A_75 = tpu.memref_slice %arg13[%dma_wait3A_60, %dma_wait3A_73, %dma_wait3A_74] : memref<2x78x128xf32, #tpu.memory_space<vmem>> -> memref<1x78x128xf32, #tpu.memory_space<vmem>>
    %dma_wait3A_76 = tpu.memref_squeeze %dma_wait3A_75 : memref<1x78x128xf32, #tpu.memory_space<vmem>> -> memref<78x128xf32, #tpu.memory_space<vmem>>
    tpu.wait_dma2 semaphore(%arg18 : memref<!tpu.dma_semaphore, #tpu.memory_space<semaphore_mem>>) src(%dma_wait3A_76 : memref<78x128xf32, #tpu.memory_space<vmem>>) dst(%dma_wait3A_72 : memref<78x128xf32, #tpu.memory_space<hbm>>)
    return
  }
}

module attributes {stable_mosaic.version = 14 : i64} {
  func.func @_edge_fold_body(%arg0: i32, %arg1: memref<2000x128xf32, #tpu.memory_space<vmem>>, %arg2: memref<128x8xf32, #tpu.memory_space<vmem>>, %arg3: memref<8x128xf32, #tpu.memory_space<vmem>>, %arg4: memref<2000x128xf32, #tpu.memory_space<vmem>>, %arg5: memref<2000x128xf32, #tpu.memory_space<vmem>>) attributes {dimension_semantics = [#tpu.dimension_semantics<arbitrary>], iteration_bounds = array<i64: 20>, scalar_prefetch = 0 : i64, scratch_operands = 0 : i64, tpu.core_type = #tpu.core_type<tc>, window_params = [{transform_indices = @transform_0, window_bounds = array<i64: 2000, 128>}, {pipeline_mode = #tpu.pipeline_mode<synchronous>, transform_indices = @transform_1, window_bounds = array<i64: 128, 8>}, {pipeline_mode = #tpu.pipeline_mode<synchronous>, transform_indices = @transform_2, window_bounds = array<i64: 8, 128>}, {transform_indices = @transform_3, window_bounds = array<i64: 2000, 128>}, {transform_indices = @transform_4, window_bounds = array<i64: 2000, 128>}]} {
    %get3A = arith.constant 0 : index
    %get3A_0 = arith.constant 0 : index
    %get3A_1 = vector.load %arg1[%get3A, %get3A_0] : memref<2000x128xf32, #tpu.memory_space<vmem>>, vector<2000x128xf32>
    %get3A_2 = arith.constant 0 : index
    %get3A_3 = arith.constant 0 : index
    %get3A_4 = vector.load %arg2[%get3A_2, %get3A_3] : memref<128x8xf32, #tpu.memory_space<vmem>>, vector<128x8xf32>
    %dot_general3A = arith.constant dense<0.000000e+00> : vector<2000x8xf32>
    %dot_general3A_5 = tpu.matmul %get3A_1, %get3A_4, %dot_general3A {dimension_numbers = #tpu.dot_dimension_numbers<[1], [0], [0], [1], [0, 0, 1, 1], [], []>, transpose_lhs_hint = false} : vector<2000x128xf32>, vector<128x8xf32>, vector<2000x8xf32> -> vector<2000x8xf32>
    %exp3A = math.exp %dot_general3A_5 : vector<2000x8xf32>
    %get3A_6 = arith.constant 0 : index
    %get3A_7 = arith.constant 0 : index
    %get3A_8 = vector.load %arg3[%get3A_6, %get3A_7] : memref<8x128xf32, #tpu.memory_space<vmem>>, vector<8x128xf32>
    %dot_general3A_9 = arith.constant dense<0.000000e+00> : vector<2000x128xf32>
    %dot_general3A_10 = tpu.matmul %exp3A, %get3A_8, %dot_general3A_9 {dimension_numbers = #tpu.dot_dimension_numbers<[1], [0], [0], [1], [0, 0, 1, 1], [], []>, transpose_lhs_hint = false} : vector<2000x8xf32>, vector<8x128xf32>, vector<2000x128xf32> -> vector<2000x128xf32>
    %swap3A = arith.constant 0 : index
    %swap3A_11 = arith.constant 0 : index
    %swap3A_12 = vector.load %arg5[%swap3A, %swap3A_11] : memref<2000x128xf32, #tpu.memory_space<vmem>>, vector<2000x128xf32>
    tpu.vector_store %arg5[%swap3A, %swap3A_11], %dot_general3A_10 {strides = array<i32>} : memref<2000x128xf32, #tpu.memory_space<vmem>>, vector<2000x128xf32>,
    %mul3A = arith.mulf %dot_general3A_10, %get3A_1 : vector<2000x128xf32>
    %swap3A_13 = arith.constant 0 : index
    %swap3A_14 = arith.constant 0 : index
    %swap3A_15 = vector.load %arg4[%swap3A_13, %swap3A_14] : memref<2000x128xf32, #tpu.memory_space<vmem>>, vector<2000x128xf32>
    tpu.vector_store %arg4[%swap3A_13, %swap3A_14], %mul3A {strides = array<i32>} : memref<2000x128xf32, #tpu.memory_space<vmem>>, vector<2000x128xf32>,
    return
  }
  func.func @transform_0(%arg0: i32) -> (i32, i32) {
    %c0_i32 = arith.constant 0 : i32
    %c0_i32_0 = arith.constant 0 : i32
    return %arg0, %c0_i32 : i32, i32
  }
  func.func @transform_1(%arg0: i32) -> (i32, i32) {
    %c0_i32 = arith.constant 0 : i32
    %c0_i32_0 = arith.constant 0 : i32
    %c0_i32_1 = arith.constant 0 : i32
    return %c0_i32, %c0_i32_0 : i32, i32
  }
  func.func @transform_2(%arg0: i32) -> (i32, i32) {
    %c0_i32 = arith.constant 0 : i32
    %c0_i32_0 = arith.constant 0 : i32
    %c0_i32_1 = arith.constant 0 : i32
    return %c0_i32, %c0_i32_0 : i32, i32
  }
  func.func @transform_3(%arg0: i32) -> (i32, i32) {
    %c0_i32 = arith.constant 0 : i32
    %c0_i32_0 = arith.constant 0 : i32
    return %arg0, %c0_i32 : i32, i32
  }
  func.func @transform_4(%arg0: i32) -> (i32, i32) {
    %c0_i32 = arith.constant 0 : i32
    %c0_i32_0 = arith.constant 0 : i32
    return %arg0, %c0_i32 : i32, i32
  }
}

module attributes {stable_mosaic.version = 14 : i64} {
  func.func @_pt_body(%arg0: memref<128x10000xf32, #tpu.memory_space<vmem>>, %arg1: memref<16x128xf32, #tpu.memory_space<vmem>>, %arg2: memref<16x10112xf32, #tpu.memory_space<vmem>>) attributes {dimension_semantics = [], scalar_prefetch = 0 : i64, scratch_operands = 0 : i64, tpu.core_type = #tpu.core_type<tc>} {
    %get3A = arith.constant 0 : index
    %get3A_0 = arith.constant 0 : index
    %get3A_1 = vector.load %arg1[%get3A, %get3A_0] : memref<16x128xf32, #tpu.memory_space<vmem>>, vector<16x128xf32>
    %get3A_2 = arith.constant 0 : index
    %get3A_3 = arith.constant 0 : index
    %get3A_4 = vector.load %arg0[%get3A_2, %get3A_3] : memref<128x10000xf32, #tpu.memory_space<vmem>>, vector<128x10000xf32>
    %dot_general3A = arith.constant dense<0.000000e+00> : vector<16x10000xf32>
    %dot_general3A_5 = tpu.matmul %get3A_1, %get3A_4, %dot_general3A {dimension_numbers = #tpu.dot_dimension_numbers<[1], [0], [0], [1], [0, 0, 1, 1], [], []>, transpose_lhs_hint = false} : vector<16x128xf32>, vector<128x10000xf32>, vector<16x10000xf32> -> vector<16x10000xf32>
    %broadcast_in_dim3A = arith.constant 0.000000e+00 : f32
    %broadcast_in_dim3A_6 = vector.broadcast %broadcast_in_dim3A : f32 to vector<16x112xf32>
    %concatenate3A = tpu.concatenate %dot_general3A_5, %broadcast_in_dim3A_6 in 1 : vector<16x10000xf32>, vector<16x112xf32> -> vector<16x10112xf32>
    %swap3A = arith.constant 0 : index
    %swap3A_7 = arith.constant 0 : index
    %swap3A_8 = vector.load %arg2[%swap3A, %swap3A_7] : memref<16x10112xf32, #tpu.memory_space<vmem>>, vector<16x10112xf32>
    tpu.vector_store %arg2[%swap3A, %swap3A_7], %concatenate3A {strides = array<i32>} : memref<16x10112xf32, #tpu.memory_space<vmem>>, vector<16x10112xf32>,
    return
  }
}

module attributes {stable_mosaic.version = 14 : i64} {
  func.func @_zt_body(%arg0: i32, %arg1: memref<16x32000xf32, #tpu.memory_space<vmem>>, %arg2: memref<16x16xf32, #tpu.memory_space<vmem>>, %arg3: memref<16x1xf32, #tpu.memory_space<vmem>>, %arg4: memref<16x32000xf32, #tpu.memory_space<vmem>>) attributes {dimension_semantics = [#tpu.dimension_semantics<arbitrary>], iteration_bounds = array<i64: 10>, scalar_prefetch = 0 : i64, scratch_operands = 0 : i64, tpu.core_type = #tpu.core_type<tc>, window_params = [{transform_indices = @transform_0, window_bounds = array<i64: 16, 32000>}, {pipeline_mode = #tpu.pipeline_mode<synchronous>, transform_indices = @transform_1, window_bounds = array<i64: 16, 16>}, {pipeline_mode = #tpu.pipeline_mode<synchronous>, transform_indices = @transform_2, window_bounds = array<i64: 16, 1>}, {transform_indices = @transform_3, window_bounds = array<i64: 16, 32000>}]} {
    %get3A = arith.constant 0 : index
    %get3A_0 = arith.constant 0 : index
    %get3A_1 = vector.load %arg2[%get3A, %get3A_0] : memref<16x16xf32, #tpu.memory_space<vmem>>, vector<16x16xf32>
    %get3A_2 = arith.constant 0 : index
    %get3A_3 = arith.constant 0 : index
    %get3A_4 = vector.load %arg1[%get3A_2, %get3A_3] : memref<16x32000xf32, #tpu.memory_space<vmem>>, vector<16x32000xf32>
    %dot_general3A = arith.constant dense<0.000000e+00> : vector<16x32000xf32>
    %dot_general3A_5 = tpu.matmul %get3A_1, %get3A_4, %dot_general3A {dimension_numbers = #tpu.dot_dimension_numbers<[1], [0], [0], [1], [0, 0, 1, 1], [], []>, transpose_lhs_hint = false} : vector<16x16xf32>, vector<16x32000xf32>, vector<16x32000xf32> -> vector<16x32000xf32>
    %get3A_6 = arith.constant 0 : index
    %get3A_7 = arith.constant 0 : index
    %get3A_8 = vector.load %arg3[%get3A_6, %get3A_7] : memref<16x1xf32, #tpu.memory_space<vmem>>, vector<16x1xf32>
    %add3A = vector.broadcast %get3A_8 : vector<16x1xf32> to vector<16x32000xf32>
    %add3A_9 = arith.addf %dot_general3A_5, %add3A : vector<16x32000xf32>
    %swap3A = arith.constant 0 : index
    %swap3A_10 = arith.constant 0 : index
    %swap3A_11 = vector.load %arg4[%swap3A, %swap3A_10] : memref<16x32000xf32, #tpu.memory_space<vmem>>, vector<16x32000xf32>
    tpu.vector_store %arg4[%swap3A, %swap3A_10], %add3A_9 {strides = array<i32>} : memref<16x32000xf32, #tpu.memory_space<vmem>>, vector<16x32000xf32>,
    return
  }
  func.func @transform_0(%arg0: i32) -> (i32, i32) {
    %c0_i32 = arith.constant 0 : i32
    %c0_i32_0 = arith.constant 0 : i32
    return %c0_i32, %arg0 : i32, i32
  }
  func.func @transform_1(%arg0: i32) -> (i32, i32) {
    %c0_i32 = arith.constant 0 : i32
    %c0_i32_0 = arith.constant 0 : i32
    %c0_i32_1 = arith.constant 0 : i32
    return %c0_i32, %c0_i32_0 : i32, i32
  }
  func.func @transform_2(%arg0: i32) -> (i32, i32) {
    %c0_i32 = arith.constant 0 : i32
    %c0_i32_0 = arith.constant 0 : i32
    %c0_i32_1 = arith.constant 0 : i32
    return %c0_i32, %c0_i32_0 : i32, i32
  }
  func.func @transform_3(%arg0: i32) -> (i32, i32) {
    %c0_i32 = arith.constant 0 : i32
    %c0_i32_0 = arith.constant 0 : i32
    return %c0_i32, %arg0 : i32, i32
  }
}

module attributes {stable_mosaic.version = 14 : i64} {
  func.func @_finalize_body(%arg0: i32, %arg1: memref<2x1000x16xf32, #tpu.memory_space<vmem>>, %arg2: memref<2x1000x16xf32, #tpu.memory_space<vmem>>, %arg3: memref<1000x128xf32, #tpu.memory_space<vmem>>, %arg4: memref<128x128xf32, #tpu.memory_space<vmem>>, %arg5: memref<1x128xf32, #tpu.memory_space<vmem>>, %arg6: memref<16x128xf32, #tpu.memory_space<vmem>>, %arg7: memref<1000x128xf32, #tpu.memory_space<vmem>>) attributes {dimension_semantics = [#tpu.dimension_semantics<arbitrary>], iteration_bounds = array<i64: 10>, scalar_prefetch = 0 : i64, scratch_operands = 0 : i64, tpu.core_type = #tpu.core_type<tc>, window_params = [{transform_indices = @transform_0, window_bounds = array<i64: 2, 1000, 16>}, {transform_indices = @transform_1, window_bounds = array<i64: 2, 1000, 16>}, {transform_indices = @transform_2, window_bounds = array<i64: 1000, 128>}, {pipeline_mode = #tpu.pipeline_mode<synchronous>, transform_indices = @transform_3, window_bounds = array<i64: 128, 128>}, {pipeline_mode = #tpu.pipeline_mode<synchronous>, transform_indices = @transform_4, window_bounds = array<i64: 1, 128>}, {pipeline_mode = #tpu.pipeline_mode<synchronous>, transform_indices = @transform_5, window_bounds = array<i64: 16, 128>}, {transform_indices = @transform_6, window_bounds = array<i64: 1000, 128>}]} {
    %get3A = arith.constant 0 : index
    %get3A_0 = arith.constant 0 : index
    %get3A_1 = arith.constant 0 : index
    %get3A_2 = vector.load %arg1[%get3A, %get3A_0, %get3A_1] : memref<2x1000x16xf32, #tpu.memory_space<vmem>>, vector<1x1000x16xf32>
    %get3A_3 = vector.shape_cast %get3A_2 : vector<1x1000x16xf32> to vector<1000x16xf32>
    %get3A_4 = arith.constant 1 : index
    %get3A_5 = arith.constant 0 : index
    %get3A_6 = arith.constant 0 : index
    %get3A_7 = vector.load %arg1[%get3A_4, %get3A_5, %get3A_6] : memref<2x1000x16xf32, #tpu.memory_space<vmem>>, vector<1x1000x16xf32>
    %get3A_8 = vector.shape_cast %get3A_7 : vector<1x1000x16xf32> to vector<1000x16xf32>
    %add3A = arith.addf %get3A_3, %get3A_8 : vector<1000x16xf32>
    %get3A_9 = arith.constant 0 : index
    %get3A_10 = arith.constant 0 : index
    %get3A_11 = arith.constant 0 : index
    %get3A_12 = vector.load %arg2[%get3A_9, %get3A_10, %get3A_11] : memref<2x1000x16xf32, #tpu.memory_space<vmem>>, vector<1x1000x16xf32>
    %get3A_13 = vector.shape_cast %get3A_12 : vector<1x1000x16xf32> to vector<1000x16xf32>
    %get3A_14 = arith.constant 1 : index
    %get3A_15 = arith.constant 0 : index
    %get3A_16 = arith.constant 0 : index
    %get3A_17 = vector.load %arg2[%get3A_14, %get3A_15, %get3A_16] : memref<2x1000x16xf32, #tpu.memory_space<vmem>>, vector<1x1000x16xf32>
    %get3A_18 = vector.shape_cast %get3A_17 : vector<1x1000x16xf32> to vector<1000x16xf32>
    %add3A_19 = arith.addf %get3A_13, %get3A_18 : vector<1000x16xf32>
    %gt3A = arith.constant 0.000000e+00 : f32
    %gt3A_20 = vector.broadcast %gt3A : f32 to vector<1000x16xf32>
    %gt3A_21 = arith.cmpf ogt, %add3A_19, %gt3A_20 : vector<1000x16xf32>
    %div3A = arith.divf %add3A, %add3A_19 : vector<1000x16xf32>
    %jit3A = arith.constant 0.000000e+00 : f32
    %broadcast_in_dim3A = vector.broadcast %jit3A : f32 to vector<1000x16xf32>
    %select_n3A = arith.select %gt3A_21, %div3A, %broadcast_in_dim3A : vector<1000x16xi1>, vector<1000x16xf32>
    %get3A_22 = arith.constant 0 : index
    %get3A_23 = arith.constant 0 : index
    %get3A_24 = vector.load %arg3[%get3A_22, %get3A_23] : memref<1000x128xf32, #tpu.memory_space<vmem>>, vector<1000x128xf32>
    %get3A_25 = arith.constant 0 : index
    %get3A_26 = arith.constant 0 : index
    %get3A_27 = vector.load %arg4[%get3A_25, %get3A_26] : memref<128x128xf32, #tpu.memory_space<vmem>>, vector<128x128xf32>
    %dot_general3A = arith.constant dense<0.000000e+00> : vector<1000x128xf32>
    %dot_general3A_28 = tpu.matmul %get3A_24, %get3A_27, %dot_general3A {dimension_numbers = #tpu.dot_dimension_numbers<[1], [0], [0], [1], [0, 0, 1, 1], [], []>, transpose_lhs_hint = false} : vector<1000x128xf32>, vector<128x128xf32>, vector<1000x128xf32> -> vector<1000x128xf32>
    %get3A_29 = arith.constant 0 : index
    %get3A_30 = arith.constant 0 : index
    %get3A_31 = vector.load %arg5[%get3A_29, %get3A_30] : memref<1x128xf32, #tpu.memory_space<vmem>>, vector<1x128xf32>
    %add3A_32 = vector.broadcast %get3A_31 : vector<1x128xf32> to vector<1000x128xf32>
    %add3A_33 = arith.addf %dot_general3A_28, %add3A_32 : vector<1000x128xf32>
    %get3A_34 = arith.constant 0 : index
    %get3A_35 = arith.constant 0 : index
    %get3A_36 = vector.load %arg6[%get3A_34, %get3A_35] : memref<16x128xf32, #tpu.memory_space<vmem>>, vector<16x128xf32>
    %dot_general3A_37 = arith.constant dense<0.000000e+00> : vector<1000x128xf32>
    %dot_general3A_38 = tpu.matmul %select_n3A, %get3A_36, %dot_general3A_37 {dimension_numbers = #tpu.dot_dimension_numbers<[1], [0], [0], [1], [0, 0, 1, 1], [], []>, transpose_lhs_hint = false} : vector<1000x16xf32>, vector<16x128xf32>, vector<1000x128xf32> -> vector<1000x128xf32>
    %add3A_39 = arith.addf %add3A_33, %dot_general3A_38 : vector<1000x128xf32>
    %swap3A = arith.constant 0 : index
    %swap3A_40 = arith.constant 0 : index
    %swap3A_41 = vector.load %arg7[%swap3A, %swap3A_40] : memref<1000x128xf32, #tpu.memory_space<vmem>>, vector<1000x128xf32>
    tpu.vector_store %arg7[%swap3A, %swap3A_40], %add3A_39 {strides = array<i32>} : memref<1000x128xf32, #tpu.memory_space<vmem>>, vector<1000x128xf32>,
    return
  }
  func.func @transform_0(%arg0: i32) -> (i32, i32, i32) {
    %c0_i32 = arith.constant 0 : i32
    %c0_i32_0 = arith.constant 0 : i32
    %c0_i32_1 = arith.constant 0 : i32
    return %c0_i32, %arg0, %c0_i32_0 : i32, i32, i32
  }
  func.func @transform_1(%arg0: i32) -> (i32, i32, i32) {
    %c0_i32 = arith.constant 0 : i32
    %c0_i32_0 = arith.constant 0 : i32
    %c0_i32_1 = arith.constant 0 : i32
    return %c0_i32, %arg0, %c0_i32_0 : i32, i32, i32
  }
  func.func @transform_2(%arg0: i32) -> (i32, i32) {
    %c0_i32 = arith.constant 0 : i32
    %c0_i32_0 = arith.constant 0 : i32
    return %arg0, %c0_i32 : i32, i32
  }
  func.func @transform_3(%arg0: i32) -> (i32, i32) {
    %c0_i32 = arith.constant 0 : i32
    %c0_i32_0 = arith.constant 0 : i32
    %c0_i32_1 = arith.constant 0 : i32
    return %c0_i32, %c0_i32_0 : i32, i32
  }
  func.func @transform_4(%arg0: i32) -> (i32, i32) {
    %c0_i32 = arith.constant 0 : i32
    %c0_i32_0 = arith.constant 0 : i32
    %c0_i32_1 = arith.constant 0 : i32
    return %c0_i32, %c0_i32_0 : i32, i32
  }
  func.func @transform_5(%arg0: i32) -> (i32, i32) {
    %c0_i32 = arith.constant 0 : i32
    %c0_i32_0 = arith.constant 0 : i32
    %c0_i32_1 = arith.constant 0 : i32
    return %c0_i32, %c0_i32_0 : i32, i32
  }
  func.func @transform_6(%arg0: i32) -> (i32, i32) {
    %c0_i32 = arith.constant 0 : i32
    %c0_i32_0 = arith.constant 0 : i32
    return %arg0, %c0_i32 : i32, i32
  }
}

</mosaic_0001>

<sc_bundles>
// kernel: kernel.11.cloned.1.call-start
scs
__scs_entry_jumppad:
0x0: {  	(pc) =	sbr.rel $0x88, $3  }
0x1: {  	(tag) =	ssettag $0x0;
	lr =	simm.s32 $0x1  }
0x2: {  	[smem:$0x3F97] =	sst lr;
	_ =	strace $0xD0000000  }
0x3: {  	_ = 	snop  }
0x4: {  	_ = 	snop  }
0x5: {  	_ = 	snop  }
0x6: {  	_ = 	snop  }
0x7: {  	_ = 	snop  }
__scs_overlays_trampoline_lowered:
0x8: {  	[smem:$0x3FA6] =	sst s0  }
0x9: {  	[smem:$0x3FA7] =	sst s1  }
0xa: {  	[smem:$0x3FA8] =	sst s2  }
0xb: {  	[smem:$0x3FA9] =	sst s3  }
0xc: {  	[smem:$0x3FAA] =	sst s4  }
0xd: {  	[smem:$0x3FAB] =	sst s5  }
0xe: {  	[smem:$0x3FAC] =	sst s6  }
0xf: {  	[smem:$0x3FAD] =	sst s7  }
0x10: {  	[smem:$0x3FAE] =	sst s8  }
0x11: {  	[smem:$0x3FAF] =	sst s9;
	s0 =	simm.s32 @!p0 $0x0  }
0x12: {  	s1 =	sld [smem:$0x3F95];
	s0 =	simm.s32 @p0 $0x1  }
0x13: {  	[smem:$0x3FB0] =	sst s0;
	s0 =	simm.s32 @!p1 $0x0  }
0x14: {  	s2 =	sld [smem:$0x3F94];
	s0 =	simm.s32 @p1 $0x1  }
0x15: {  	[smem:$0x3FB1] =	sst s0;
	s0 =	simm.s32 @!p2 $0x0  }
0x16: {  	s3 =	sld [smem:$0x3FDB];
	s0 =	simm.s32 @p2 $0x1  }
0x17: {  	s4 =	simm.s32 $0x1BF5;
	[smem:$0x3FB3] =	sst s0  }
0x18: {  	s0 =	sld [smem:$0x3F96];
	_ =	swait.ge [sflag:s4], $0x0  }
0x19: {  	s7 =	sld [smem:$0x3F97]  }
0x1a: {  	s8 =	sadd.s32 $0xFFFFE003, lr  }
0x1b: {  	s9 =	sadd.s32 $0xFFFFFEF7, lr;
	s5 =	simm.s32 $0xFFFFFFFF;
	p2 =	slt.u32 s8, $0xFFFFF086  }
0x1c: {  	p1 =	slt.u32 s9, $0xF7A;
	s5 =	simm.s32 @!p2 $0x0  }
0x1d: {  	s5 =	simm.s32 @p1 $0x1;
	p0 =	seq.s32 s7, s2  }
0x1e: {  	s7 =	smul.u32 @!p0 $0xF7A, s2;
	p2 =	seq.s32 @!p0 s5, $0x0  }
0x1f: {  	s9 =	smul.u32 $0xF7A, s1;
	s8 =	simm.s32 @!p0 $0x1BF5;
	p2 =	por !p2, p0  }
0x20: {  	[sflag:s8] =	ssyncset.s32 @!p0 $0xFFFFF086;
	s6 =	sadd.s32 @!p0 s3, s7;
	s7 =	simm.s32 @!p0 $0x108  }
0x21: {  	s3 =	sadd.s32 s3, s9;
	s6 =	sadd.s32 @!p0 $0x88, s6;
	s7 =	simm.s32 @p2 $0x1082  }
0x22: {  	[simem:s7], [sflag:s8] =	dma.local @!p0 [hbm:s6], $0xF7A  }
0x23: {  	s9 =	sor.u32 $0xD0000000, s2;
	s6 =	simm.s32 $0x108;
	_ =	swait.ge @!p0 [sflag:s8], $0x0  }
0x24: {  	s3 =	sadd.s32 $0x88, s3;
	s6 =	simm.s32 @!p1 $0x1082;
	[sflag:s4] =	ssyncset.s32 $0xFFFFF086  }
0x25: {  	[simem:s6], [sflag:s4] =	dma.local [hbm:s3], $0xF7A  }
0x26: {  	[smem:$0x3F97] =	sst s1;
	(tag) =	ssettag s2;
	_ =	strace s9  }
0x27: {  	s1 =	sld [smem:$0x3FA7]  }
0x28: {  	s2 =	sld [smem:$0x3FA8]  }
0x29: {  	s4 =	sld [smem:$0x3FAA]  }
0x2a: {  	p0 =	seq.s32 s5, $0x0;
	s5 =	sld [smem:$0x3FAB]  }
0x2b: {  	s6 =	sld [smem:$0x3FAC]  }
0x2c: {  	s7 =	sld [smem:$0x3FAD]  }
0x2d: {  	s3 =	simm.s32 $0x108;
	s8 =	sld [smem:$0x3FAE]  }
0x2e: {  	s3 =	simm.s32 @!p0 $0x1082;
	s9 =	sld [smem:$0x3FAF]  }
0x2f: {  	lr =	sadd.s32 s0, s3;
	s0 =	sld [smem:$0x3FA6]  }
0x30: {  	s3 =	sld [smem:$0x3FA9]  }
0x31: {  	[smem:$0x3FB2] =	sst s10  }
0x32: {  	s10 =	sld [smem:$0x3FB0];
	_ =	sdelay $0x3  }
0x33: {  	p0 =	seq.s32 s10, $0x1;
	s10 =	sld [smem:$0x3FB2];
	_ =	sdelay $0x3  }
0x34: {  	[smem:$0x3FB2] =	sst s10  }
0x35: {  	s10 =	sld [smem:$0x3FB1];
	_ =	sdelay $0x3  }
0x36: {  	p1 =	seq.s32 s10, $0x1;
	s10 =	sld [smem:$0x3FB2];
	_ =	sdelay $0x3  }
0x37: {  	[smem:$0x3FB2] =	sst s10  }
0x38: {  	s10 =	sld [smem:$0x3FB3]  }
0x39: {  	_ = 	snop;
	(pc) =	sbr.ind lr, $3  }
0x3a: {  	_ = 	snop  }
0x3b: {  	_ = 	snop  }
0x3c: {  	p2 =	seq.s32 s10, $0x1;
	s10 =	sld [smem:$0x3FB2]  }
0x3d: {  	_ =	shalt  }
0x3e: {  	_ =	shalt  }
0x3f: {  	_ =	shalt  }
0x40: {  	_ =	shalt  }
0x41: {  	_ =	shalt  }
0x42: {  	_ =	shalt  }
0x43: {  	_ =	shalt  }
0x44: {  	_ =	shalt  }
0x45: {  	_ =	shalt  }
0x46: {  	_ =	shalt  }
0x47: {  	_ =	shalt  }
0x48: {  	_ =	shalt  }
0x49: {  	_ =	shalt  }
0x4a: {  	_ =	shalt  }
0x4b: {  	_ =	shalt  }
0x4c: {  	_ =	shalt  }
0x4d: {  	_ =	shalt  }
0x4e: {  	_ =	shalt  }
0x4f: {  	_ =	shalt  }
0x50: {  	_ =	shalt  }
0x51: {  	_ =	shalt  }
0x52: {  	_ =	shalt  }
0x53: {  	_ =	shalt  }
0x54: {  	_ =	shalt  }
0x55: {  	_ =	shalt  }
0x56: {  	_ =	shalt  }
0x57: {  	_ =	shalt  }
0x58: {  	_ =	shalt  }
0x59: {  	_ =	shalt  }
0x5a: {  	_ =	shalt  }
0x5b: {  	_ =	shalt  }
0x5c: {  	_ =	shalt  }
0x5d: {  	_ =	shalt  }
0x5e: {  	_ =	shalt  }
0x5f: {  	_ =	shalt  }
0x60: {  	_ =	shalt  }
0x61: {  	_ =	shalt  }
0x62: {  	_ =	shalt  }
0x63: {  	_ =	shalt  }
0x64: {  	_ =	shalt  }
0x65: {  	_ =	shalt  }
0x66: {  	_ =	shalt  }
0x67: {  	_ =	shalt  }
0x68: {  	_ =	shalt  }
0x69: {  	_ =	shalt  }
0x6a: {  	_ =	shalt  }
0x6b: {  	_ =	shalt  }
0x6c: {  	_ =	shalt  }
0x6d: {  	_ =	shalt  }
0x6e: {  	_ =	shalt  }
0x6f: {  	_ =	shalt  }
0x70: {  	_ =	shalt  }
0x71: {  	_ =	shalt  }
0x72: {  	_ =	shalt  }
0x73: {  	_ =	shalt  }
0x74: {  	_ =	shalt  }
0x75: {  	_ =	shalt  }
0x76: {  	_ =	shalt  }
0x77: {  	_ =	shalt  }
0x78: {  	_ =	shalt  }
0x79: {  	_ =	shalt  }
0x7a: {  	_ =	shalt  }
0x7b: {  	_ =	shalt  }
0x7c: {  	_ =	shalt  }
0x7d: {  	_ =	shalt  }
0x7e: {  	_ =	shalt  }
0x7f: {  	_ =	shalt  }
0x80: {  	_ =	shalt  }
0x81: {  	_ =	shalt  }
0x82: {  	_ =	shalt  }
0x83: {  	_ =	shalt  }
0x84: {  	_ =	shalt  }
0x85: {  	_ =	shalt  }
0x86: {  	_ =	shalt  }
0x87: {  	_ =	shalt  }
.Lfunc_end0:
.L_simem_size_0:
called_computation.1_lowered:
.L_overlay_start_0:
0x88: {  	s2 =	sld [smem:$0x3FD9]  }
0x89: {  	s3 =	sld [smem:$0x3FFE];
	_ =	sdelay $0x1  }
0x8a: {  	s1 =	srdreg.scid  }
0x8b: {  	s0 =	sand.u32 $0x1, s1  }
0x8c: {  	s14 =	sshll.u32 s0, $0xA;
	s2 =	sadd.s32 s3, s2  }
0x8d: {  	s2 =	sadd.s32 s2, s14  }
0x8e: {  	[smem:$0x3FBE] =	sst s2  }
0x8f: {  	_ = 	snop  }
0x90: {  	s2 =	sld [smem:$0x3FD0];
	_ =	sdelay $0x2  }
0x91: {  	s15 =	simm.s32 $0xB;
	s4 =	simm.s32 $0x10  }
0x92: {  	[smem:s4], [sflag:s15] =	dma.local [hbm:s2], $0x1  }
0x93: {  	_ =	swait.eq [sflag:s15], $0x1  }
0x94: {  	[sflag:s15] =	ssyncset.done $0x0  }
0x95: {  	[sflag:s15] =	ssyncadd.s32 $0xFFFFFFFF  }
0x96: {  	s16 =	sld [smem:$0x10];
	(tm) =	ssettm $0x1  }
0x97: {  	s17 =	sld [smem:$0x3FFB];
	_ =	sdelay $0x3  }
0x98: {  	_ =	strace s17  }
0x99: {  	s3 =	sld [smem:$0x3FFC];
	_ =	sdelay $0x3  }
0x9a: {  	_ =	strace s3  }
0x9b: {  	s3 =	sld [smem:$0x3FFD];
	_ =	sdelay $0x3  }
0x9c: {  	_ =	strace s3  }
0x9d: {  	_ =	strace $0x8FFFFFFF  }
0x9e: {  	s18 =	sld [smem:$0x3FDB];
	_ =	sdelay $0x1  }
0x9f: {  	s19 =	simm.s32 $_scs_section_size  }
0xa0: {  	s5 =	simm.s32 $_size__tile_overlayer_lowered;
	s6 =	simm.s32 $_tile_overlayer_lowered  }
0xa1: {  	s22 =	simm.s32 $0x1BFF;
	s21 =	sshll.u32 s6, $0x1;
	s3 =	sadd.s32 s19, s18  }
0xa2: {  	s7 =	simm.s32 $0x0;
	s20 =	sshll.u32 s5, $0x1;
	s5 =	sadd.s32 s21, s3  }
0xa3: {  	[timem:s7], [sflag:s22] =	dma.local [hbm:s5], s20  }
0xa4: {  	_ =	swait.ge [sflag:s22], s20  }
0xa5: {  	s4 =	ssub.s32 $0x0, s20;
	[sflag:s22] =	ssyncset.done $0x0  }
0xa6: {  	[sflag:s22] =	ssyncadd.s32 s4;
	_ =	sdelay $0x1  }
0xa7: {  	s23 =	simm.s32 $0x1B8B  }
0xa8: {  	_ =	swait.ge [sflag:s23], $0x1  }
0xa9: {  	[sflag:s23] =	ssyncset.done $0x0  }
0xaa: {  	s25 =	simm.s32 $0x1B8E;
	s24 =	sld [smem:$0x3FFE];
	[sflag:s23] =	ssyncadd.s32 $0xFFFFFFFF  }
0xab: {  	s26 =	simm.s32 $execute0_lowered;
	[smem:$0x3FD2] =	sst s25  }
0xac: {  	s5 =	sshll.u32 s26, $0x1;
	_ =	strace $0x80000046;
	[dreg:$0x1] =	wrdreg $0xFFFFFFFF  }
0xad: {  	s28 =	simm.s32 $_size_execute0_lowered;
	s3 =	sadd.s32 s3, s5;
	[dreg:$0x0] =	wrdreg $0x0  }
0xae: {  	s5 =	sshll.u32 s28, $0x1;
	[dreg:$0x2] =	wrdreg s3  }
0xaf: {  	[dreg:$0x3] =	wrdreg s5  }
0xb0: {  	[dreg:$0x4] =	wrdreg $0xC0  }
0xb1: {  	_ =	task [dreg:s7], $0x5FFFF  }
0xb2: {  	[dreg:$0x1] =	wrdreg $0xFFFFFFFF  }
0xb3: {  	[dreg:$0x0] =	wrdreg $0x60  }
0xb4: {  	[dreg:$0x2] =	wrdreg s24  }
0xb5: {  	[dreg:$0x3] =	wrdreg s16  }
0xb6: {  	[dreg:$0x4] =	wrdreg $0xB2900  }
0xb7: {  	[dreg:$0x5] =	wrdreg $0xDA100  }
0xb8: {  	[dreg:$0x6] =	wrdreg $0xA  }
0xb9: {  	_ =	task.clear_ibuf [dreg:s7], $0x7FFFF;
	_ =	strace $0x90000046  }
0xba: {  	s29 =	simm.s32 $0xA;
	_ =	strace $0x80000048  }
0xbb: {  	_ =	swait.ge [sflag:s29], $0x1  }
0xbc: {  	[sflag:s29] =	ssyncadd.s32 $0xFFFFFFFF  }
0xbd: {  	_ =	strace $0x90000048  }
0xbe: {  	_ =	sfence  }
0xbf: {  	s30 =	sld [smem:$0x0];
	_ =	sdelay $0x2  }
0xc0: {  	s31 =	sshll.u32 s1, $0xD;
	s1 =	sshrl.u32 s1, $0x2  }
0xc1: {  	s3 =	sand.u32 $0x4000, s31;
	s1 =	sadd.s32 s1, s30  }
0xc2: {  	s0 =	sor.u32 s3, s0;
	s1 =	sshll.u32 s1, $0x11  }
0xc3: {  	s0 =	sor.u32 s1, s0  }
0xc4: {  	s0 =	sadd.s32 $0x8F2B, s0  }
0xc5: {  	[sflag:s0] =	ssyncadd.remote.s32 $0x1  }
0xc6: {  	_ =	sfence.sel $0xFFFF  }
0xc7: {  	[dreg:$0x0] =	wrdreg $0xFFFFFFFF;
	(pc) =	sbr.abs _section_cstart, $3  }
0xc8: {  	[dreg:$0x1] =	wrdreg $0xFFFFFFFF  }
0xc9: {  	_ =	task.clear_ibuf [dreg:s7], $0x2FFFF;
	_ =	strace $0x9FFFFFFF  }
0xca: {  	(tm) =	ssettm $0x7FFFFFFF  }
0xcb: {  	_ =	shalt  }
tec
execute0_lowered:
.L_overlay_start_1:
0x0: {  	(tag) =	ssettag $0x1  }
0x1: {  	s8 =	rddreg [dreg:$0x0]  }
0x2: {  	s13 =	rddreg [dreg:$0x1]  }
0x3: {  	s2 =	rddreg [dreg:$0x2]  }
0x4: {  	s0 =	srdreg.scid;
	s3 =	rddreg [dreg:$0x3]  }
0x5: {  	s4 =	simm.s32 $0x0;
	s19 =	simm.s32 $0x5910;
	s20 =	simm.s32 $0x50  }
0x6: {  	s21 =	simm.s32 $0x0;
	s9 =	sand.u32 $0x1, s0;
	s0 =	stileid.u32  }
0x7: {  	[smem:$0x7FF] =	sst s4;
	s5 =	sadd.s32 $0xB2400, s8;
	s11 =	smul.u32 $0x2780, s0  }
0x8: {  	s6 =	sadd.s32 $0x16000, s8;
	s1 =	sshll.u32 s9, $0x4;
	s12 =	smul.u32 $0x27800, s9  }
0x9: {  	s9 =	ssub.s32 $0x2, s9;
	s10 =	sor.u32 s0, s1;
	s1 =	rddreg [dreg:$0x4]  }
0xa: {  	_ =	strace $0x80000047;
	s29 =	sshrl.u32 s9, $0x1;
	s7 =	smul.u32 $0x4E2, s10  }
0xb: {  	s12 =	sadd.s32 s11, s12;
	s30 =	smul.u32 $0x2710, s10;
	s17 =	ssub.s32 s9, s29  }
0xc: {  	s31 =	smul.u32 $0x4E20, s10;
	s9 =	sadd.s32 s11, s2;
	s10 =	sadd.s32 s11, s3  }
0xd: {  	s15 =	sshrl.u32 s12, $0x3;
	s14 =	sadd.s32 s7, s8;
	s7 =	sadd.s32 $0x14E800, s8  }
0xe: {  	s16 =	sadd.s32 s15, s8;
	s18 =	sadd.s32 $0x190, s30;
	s11 =	sadd.s32 s5, s31  }
0xf: {  	s12 =	sadd.s32 s6, s31;
	s13 =	sadd.s32 s13, s15;
	s15 =	smax.u32 s17, $0x1  }
0x10: {  	s17 =	simm.s32 $0x8B10;
	s8 =	sadd.s32 $0xC200, s14;
	[dreg:$0x5] =	wrdreg s18  }
0x11: {  	s14 =	sadd.s32 $0x14EE00, s16;
	s16 =	simm.s32 $0x3;
	s18 =	simm.s32 $0x2710  }
.LBB2_1:
0x12: {  	[tilespmem:s4], [sflag:$0x3] =	stream.linear.gather [hbm4b:s8+s4], $0x2710, $0x38;
	[tilespmem:$0x10190] =	vst v63  }
0x13: {  	_ =	swait.ge [sflag:s16], $0x2710  }
0x14: {  	[sflag:s16] =	ssyncset.done $0x0  }
0x15: {  	[sflag:s16] =	ssyncadd.s32 $0xFFFFD8F0  }
0x16: {  	[tilespmem:s17], [sflag:$0x3] =	stream.linear.gather [hbm4b:s7+s4], $0x2780, $0x38;
	[tilespmem:$0x10190] =	vst v63  }
0x17: {  	_ =	swait.ge [sflag:s16], $0x2780  }
0x18: {  	[sflag:s16] =	ssyncset.done $0x0  }
0x19: {  	s22 =	smul.u32 $0xCD, s4;
	[sflag:s16] =	ssyncadd.s32 $0xFFFFD880  }
0x1a: {  	[spmem:s9] =	stream.linear.scatter [tilespmem:s17], [sflag:$0x3], $0x2780, $0x38;
	[tilespmem:$0x10190] =	vst v63  }
0x1b: {  	s22 =	sshrl.u32 s22, $0xA;
	_ =	swait.ge [sflag:s16], $0x2780  }
0x1c: {  	s23 =	sand.u32 $0x3F, s22;
	[sflag:s16] =	ssyncset.done $0x0  }
0x1d: {  	s24 =	smul.u32 $0x5, s23;
	[sflag:s16] =	ssyncadd.s32 $0xFFFFD880  }
0x1e: {  	[spmem:s10] =	stream.linear.scatter [tilespmem:s17], [sflag:$0x3], $0x2780, $0x38;
	[tilespmem:$0x10190] =	vst v63  }
0x1f: {  	_ =	swait.ge [sflag:s16], $0x2780  }
0x20: {  	s24 =	ssub.s32 $0x0, s24;
	[sflag:s16] =	ssyncset.done $0x0  }
0x21: {  	s24 =	sand.u32 $0xFF, s24;
	[sflag:s16] =	ssyncadd.s32 $0xFFFFD880  }
0x22: {  	p0 =	sne.s32 s24, $0x0;
	[bflag:$0x0] =	sbarrier.arrive $0xFFFF  }
0x23: {  	[tilespmem:s18], [sflag:$0x1] =	stream.linear.gather [hbm4b:s11+s4], $0x1900, $0x38;
	[tilespmem:$0x10190] =	vst v63  }
0x24: {  	s25 =	simm.s32 @!p0 $0x1  }
0x25: {  	[tilespmem:s19], [sflag:$0x2] =	stream.linear.gather [hbm4b:s12+s4], $0x1900, $0x38;
	[tilespmem:$0x10190] =	vst v63  }
0x26: {  	_ =	swait.ge @!p0 [sflag:s25], $0x1900  }
0x27: {  	p1 =	por @!p0 $0x0, $0x0;
	[sflag:s25] =	ssyncset.done @!p0 $0x0  }
0x28: {  	p1 =	por p1, p0;
	[sflag:s25] =	ssyncadd.s32 @!p0 $0xFFFFE700;
	s25 =	simm.s32 @!p0 $0x2  }
0x29: {  	s23 =	smul.u32 @!p1 $0x190, s23;
	_ =	swait.ge @!p0 [sflag:s25], $0x1900  }
0x2a: {  	s22 =	sand.u32 $0x1, s22;
	s24 =	smul.u32 $0x500, s24;
	s26 =	rddreg [dreg:$0x5]  }
0x2b: {  	s28 =	sxor.u32 @!p1 $0x1, s22;
	s22 =	smul.u32 $0x1900, s22;
	s26 =	sadd.s32 @!p1 s23, s26  }
0x2c: {  	s30 =	simm.s32 @!p1 $0x0;
	s28 =	smul.u32 @!p1 $0x1900, s28;
	s26 =	sshll.u32 @!p1 s26, $0x1  }
0x2d: {  	s22 =	sadd.s32 s24, s22;
	[sflag:s25] =	ssyncset.done @!p0 $0x0;
	s26 =	sand.u32 @!p1 $0x3FFFE0, s26  }
0x2e: {  	s29 =	sadd.s32 @!p1 $0x2710, s28;
	[sflag:s25] =	ssyncadd.s32 @!p0 $0xFFFFE700;
	s25 =	sadd.s32 @!p1 s5, s26  }
0x2f: {  	[tilespmem:s29], [sflag:$0x1] =	stream.linear.gather @!p1 [hbm4b:s25+s30], $0x1900, $0x38;
	[tilespmem:$0x10190] =	vst v63  }
0x30: {  	s23 =	simm.s32 $0x1;
	s24 =	sadd.s32 @!p1 s6, s26;
	s25 =	sadd.s32 @!p1 $0x5910, s28  }
0x31: {  	[tilespmem:s25], [sflag:$0x2] =	stream.linear.gather @!p1 [hbm4b:s24+s30], $0x1900, $0x38;
	[tilespmem:$0x10190] =	vst v63  }
0x32: {  	s29 =	smul.u32 $0xCD, s23;
	s30 =	sadd.s32 $0x2710, s22  }
0x33: {  	[spmem:s2] =	stream.indirect.scatter.add.f32 [tilespmem:s30], [sflag:$0x3], $0x10, s4, s20, $0xb8;
	[tilespmem:$0x10190] =	vst v63  }
0x34: {  	s26 =	sshrl.u32 s29, $0xA;
	_ =	swait.ge [sflag:s16], $0x500  }
0x35: {  	s25 =	sand.u32 $0x3F, s26;
	[sflag:s16] =	ssyncset.done $0x0  }
0x36: {  	s22 =	sadd.s32 $0x5910, s22;
	s28 =	smul.u32 $0x5, s25;
	[sflag:s16] =	ssyncadd.s32 $0xFFFFFB00  }
0x37: {  	[spmem:s3] =	stream.indirect.scatter.add.f32 [tilespmem:s22], [sflag:$0x3], $0x10, s4, s20, $0xb8;
	[tilespmem:$0x10190] =	vst v63  }
0x38: {  	s24 =	simm.s32 $0x2;
	s31 =	ssub.s32 $0x1, s28;
	_ =	swait.ge [sflag:s16], $0x500  }
0x39: {  	s28 =	sand.u32 $0xFF, s31;
	s22 =	simm.s32 $0x50;
	[sflag:s16] =	ssyncset.done $0x0  }
.LBB2_2:
0x3a: {  	p1 =	sne.s32 s28, $0x0  }
0x3b: {  	[sflag:s16] =	ssyncadd.s32 $0xFFFFFB00;
	s30 =	simm.s32 @!p1 $0x1  }
0x3c: {  	s29 =	smov.u32 s24;
	s28 =	smul.u32 $0x500, s28;
	_ =	swait.ge @!p1 [sflag:s30], $0x1900  }
0x3d: {  	p2 =	sgt.u32 @!p1 s23, $0x77;
	s23 =	smov.u32 s29;
	[sflag:s30] =	ssyncset.done @!p1 $0x0  }
0x3e: {  	s29 =	simm.s32 @!p1 $0x2;
	p2 =	por p2, p1;
	[sflag:s30] =	ssyncadd.s32 @!p1 $0xFFFFE700  }
0x3f: {  	s26 =	sand.u32 $0x1, s26;
	s25 =	smul.u32 @!p2 $0x190, s25;
	_ =	swait.ge @!p1 [sflag:s29], $0x1900  }
0x40: {  	s31 =	sxor.u32 @!p2 $0x1, s26;
	s26 =	smul.u32 $0x1900, s26;
	s30 =	rddreg [dreg:$0x5]  }
0x41: {  	s31 =	smul.u32 @!p2 $0x1900, s31;
	s25 =	sadd.s32 @!p2 s25, s30  }
0x42: {  	s28 =	sadd.s32 s28, s26;
	s25 =	sshll.u32 @!p2 s25, $0x1  }
0x43: {  	[sflag:s29] =	ssyncset.done @!p1 $0x0;
	s30 =	sadd.s32 @!p2 $0x2710, s31;
	s25 =	sand.u32 @!p2 $0x3FFFE0, s25  }
0x44: {  	[sflag:s29] =	ssyncadd.s32 @!p1 $0xFFFFE700;
	s29 =	simm.s32 @!p2 $0x0;
	s26 =	sadd.s32 @!p2 s5, s25  }
0x45: {  	[tilespmem:s30], [sflag:$0x1] =	stream.linear.gather @!p2 [hbm4b:s26+s29], $0x1900, $0x38;
	[tilespmem:$0x10190] =	vst v63  }
0x46: {  	s31 =	sadd.s32 @!p2 $0x5910, s31;
	s25 =	sadd.s32 @!p2 s6, s25  }
0x47: {  	[tilespmem:s31], [sflag:$0x2] =	stream.linear.gather @!p2 [hbm4b:s25+s29], $0x1900, $0x38;
	[tilespmem:$0x10190] =	vst v63  }
0x48: {  	s24 =	sadd.s32 $0x1, s24;
	s30 =	sadd.s32 $0x2710, s28;
	s29 =	smul.u32 $0xCD, s23  }
0x49: {  	[spmem:s2] =	stream.indirect.scatter.add.f32 [tilespmem:s30], [sflag:$0x3], $0x10, s22, s20, $0xb8;
	[tilespmem:$0x10190] =	vst v63  }
0x4a: {  	p0 =	sne.s32 s24, $0x7D;
	s26 =	sshrl.u32 s29, $0xA;
	_ =	swait.ge [sflag:s16], $0x500  }
.Ltmp0:
0x4b: {  	s25 =	sand.u32 $0x3F, s26;
	[sflag:s16] =	ssyncset.done $0x0;
	(pc) =	sbr.rel @p0 .LBB2_2-.Ltmp0, $4  }
0x4c: {  	s28 =	sadd.s32 $0x5910, s28;
	s31 =	smul.u32 $0x5, s25;
	[sflag:s16] =	ssyncadd.s32 $0xFFFFFB00  }
0x4d: {  	[spmem:s3] =	stream.indirect.scatter.add.f32 [tilespmem:s28], [sflag:$0x3], $0x10, s22, s20, $0xb8;
	[tilespmem:$0x10190] =	vst v63  }
0x4e: {  	s28 =	ssub.s32 s23, s31;
	_ =	swait.ge [sflag:s16], $0x500  }
0x4f: {  	s22 =	sadd.s32 $0x50, s22;
	s28 =	sand.u32 $0xFF, s28;
	[sflag:s16] =	ssyncset.done $0x0  }
0x50: {  	p0 =	sne.s32 s28, $0x0  }
0x51: {  	[sflag:s16] =	ssyncadd.s32 $0xFFFFFB00;
	s24 =	simm.s32 @!p0 $0x1  }
0x52: {  	_ =	swait.ge @!p0 [sflag:s24], $0x1900  }
0x53: {  	p1 =	sgt.u32 @!p0 s23, $0x77;
	[sflag:s24] =	ssyncset.done @!p0 $0x0  }
0x54: {  	p1 =	por p1, p0;
	[sflag:s24] =	ssyncadd.s32 @!p0 $0xFFFFE700;
	s24 =	simm.s32 @!p0 $0x2  }
0x55: {  	s25 =	smul.u32 @!p1 $0x190, s25;
	_ =	swait.ge @!p0 [sflag:s24], $0x1900  }
0x56: {  	s26 =	sand.u32 $0x1, s26;
	s28 =	smul.u32 $0x500, s28;
	s23 =	rddreg [dreg:$0x5]  }
0x57: {  	s31 =	smul.u32 $0x1900, s26;
	s29 =	sxor.u32 @!p1 $0x1, s26;
	s23 =	sadd.s32 @!p1 s25, s23  }
0x58: {  	s29 =	smul.u32 @!p1 $0x1900, s29;
	s23 =	sshll.u32 @!p1 s23, $0x1  }
0x59: {  	s30 =	simm.s32 @!p1 $0x0;
	[sflag:s24] =	ssyncset.done @!p0 $0x0;
	s23 =	sand.u32 @!p1 $0x3FFFE0, s23  }
0x5a: {  	s26 =	sadd.s32 @!p1 $0x2710, s29;
	[sflag:s24] =	ssyncadd.s32 @!p0 $0xFFFFE700;
	s24 =	sadd.s32 @!p1 s5, s23  }
0x5b: {  	[tilespmem:s26], [sflag:$0x1] =	stream.linear.gather @!p1 [hbm4b:s24+s30], $0x1900, $0x38;
	[tilespmem:$0x10190] =	vst v63  }
0x5c: {  	s25 =	sadd.s32 s28, s31;
	s23 =	sadd.s32 @!p1 s6, s23;
	s24 =	sadd.s32 @!p1 $0x5910, s29  }
0x5d: {  	[tilespmem:s24], [sflag:$0x2] =	stream.linear.gather @!p1 [hbm4b:s23+s30], $0x1900, $0x38;
	[tilespmem:$0x10190] =	vst v63  }
0x5e: {  	s30 =	sadd.s32 $0x2710, s25  }
0x5f: {  	[spmem:s2] =	stream.indirect.scatter.add.f32 [tilespmem:s30], [sflag:$0x3], $0x10, s22, s20, $0xb8;
	[tilespmem:$0x10190] =	vst v63  }
0x60: {  	_ =	swait.ge [sflag:s16], $0x500  }
0x61: {  	[sflag:s16] =	ssyncset.done $0x0  }
0x62: {  	s31 =	sadd.s32 $0x5910, s25;
	[sflag:s16] =	ssyncadd.s32 $0xFFFFFB00  }
0x63: {  	[spmem:s3] =	stream.indirect.scatter.add.f32 [tilespmem:s31], [sflag:$0x3], $0x10, s22, s20, $0xb8;
	[tilespmem:$0x10190] =	vst v63  }
0x64: {  	_ =	swait.ge [sflag:s16], $0x500  }
0x65: {  	[sflag:s16] =	ssyncset.done $0x0  }
0x66: {  	[sflag:s16] =	ssyncadd.s32 $0xFFFFFB00  }
0x67: {  	[bflag:$0x0] =	sbarrier.arrive $0xFFFF  }
0x68: {  	[tilespmem:s17], [sflag:$0x3] =	stream.linear.gather [spmem:s9], $0x2780, $0x38;
	[tilespmem:$0x10190] =	vst v63  }
0x69: {  	_ =	swait.ge [sflag:s16], $0x2780  }
0x6a: {  	[sflag:s16] =	ssyncset.done $0x0  }
0x6b: {  	[sflag:s16] =	ssyncadd.s32 $0xFFFFD880  }
0x6c: {  	[hbm4b:s13+s4] =	stream.linear.scatter [tilespmem:s17], [sflag:$0x3], $0x2780, $0x38;
	[tilespmem:$0x10190] =	vst v63  }
0x6d: {  	_ =	swait.ge [sflag:s16], $0x2780  }
0x6e: {  	[sflag:s16] =	ssyncset.done $0x0  }
0x6f: {  	[sflag:s16] =	ssyncadd.s32 $0xFFFFD880  }
0x70: {  	[tilespmem:s17], [sflag:$0x3] =	stream.linear.gather [spmem:s10], $0x2780, $0x38;
	[tilespmem:$0x10190] =	vst v63  }
0x71: {  	s21 =	sadd.s32 $0x1, s21;
	_ =	swait.ge [sflag:s16], $0x2780  }
0x72: {  	p0 =	sne.s32 s21, s15;
	[sflag:s16] =	ssyncset.done $0x0  }
.Ltmp1:
0x73: {  	[sflag:s16] =	ssyncadd.s32 $0xFFFFD880;
	(pc) =	sbr.rel @p0 .LBB2_1-.Ltmp1, $4  }
0x74: {  	[hbm4b:s14+s4] =	stream.linear.scatter [tilespmem:s17], [sflag:$0x3], $0x2780, $0x38;
	[tilespmem:$0x10190] =	vst v63  }
0x75: {  	_ =	swait.ge [sflag:s16], $0x2780  }
0x76: {  	[sflag:s16] =	ssyncset.done $0x0  }
0x77: {  	[sflag:s16] =	ssyncadd.s32 $0xFFFFD880  }
0x78: {  	_ =	sfence.sel $0x180000  }
0x79: {  	[bflag:$0x0] =	sbarrier.arrive $0xFFFF  }
0x7a: {  	p0 =	sne.s32 s0, $0x0;
	_ =	strace $0x90000047  }
0x7b: {  	s0 =	sadd.s32 @!p0 $0x100000, s1;
	[bflag:$0x2] =	sbarrier.arrive $0xFFFF  }
0x7c: {  	[sflag:s0] =	ssyncadd.tile.s32 @!p0 $0x1;
	_ =	shalt  }
.Lfunc_end2:
_tile_overlayer_lowered:
.L_overlay_start_2:
0x7d: {  	(tag) =	ssettag $0x2  }
0x7e: {  	s0 =	rddreg [dreg:$0x0];
	s2 =	stileid.u32  }
0x7f: {  	s1 =	rddreg [dreg:$0x1];
	p0 =	sne.s32 s2, $0x0  }
0x80: {  	s3 =	rddreg [dreg:$0x2];
	[bflag:$0x3] =	sbarrier.arrive $0xFFFF;
	s2 =	simm.s32 @!p0 $0x1C03  }
0x81: {  	[timem:s3], [sflag:s2] =	dma.local @!p0 [hbm:s0], s1  }
0x82: {  	s0 =	simm.s32 @!p0 $0x3  }
0x83: {  	_ =	swait.ge @!p0 [sflag:s0], s1  }
0x84: {  	s1 =	ssub.s32 @!p0 $0x0, s1;
	[sflag:s0] =	ssyncset.done @!p0 $0x0  }
0x85: {  	[sflag:s0] =	ssyncadd.s32 @!p0 s1  }
0x86: {  	[bflag:$0x3] =	sbarrier.arrive $0xFFFF  }
0x87: {  	_ =	shalt  }

// kernel: kernel.8.cloned.1.call-start
scs
__scs_entry_jumppad:
0x0: {  	(pc) =	sbr.rel $0x88, $3  }
0x1: {  	(tag) =	ssettag $0x0;
	lr =	simm.s32 $0x1  }
0x2: {  	[smem:$0x3F97] =	sst lr;
	_ =	strace $0xD0000000  }
0x3: {  	_ = 	snop  }
0x4: {  	_ = 	snop  }
0x5: {  	_ = 	snop  }
0x6: {  	_ = 	snop  }
0x7: {  	_ = 	snop  }
__scs_overlays_trampoline_lowered:
0x8: {  	[smem:$0x3FA6] =	sst s0  }
0x9: {  	[smem:$0x3FA7] =	sst s1  }
0xa: {  	[smem:$0x3FA8] =	sst s2  }
0xb: {  	[smem:$0x3FA9] =	sst s3  }
0xc: {  	[smem:$0x3FAA] =	sst s4  }
0xd: {  	[smem:$0x3FAB] =	sst s5  }
0xe: {  	[smem:$0x3FAC] =	sst s6  }
0xf: {  	[smem:$0x3FAD] =	sst s7  }
0x10: {  	[smem:$0x3FAE] =	sst s8  }
0x11: {  	[smem:$0x3FAF] =	sst s9;
	s0 =	simm.s32 @!p0 $0x0  }
0x12: {  	s1 =	sld [smem:$0x3F95];
	s0 =	simm.s32 @p0 $0x1  }
0x13: {  	[smem:$0x3FB0] =	sst s0;
	s0 =	simm.s32 @!p1 $0x0  }
0x14: {  	s2 =	sld [smem:$0x3F94];
	s0 =	simm.s32 @p1 $0x1  }
0x15: {  	[smem:$0x3FB1] =	sst s0;
	s0 =	simm.s32 @!p2 $0x0  }
0x16: {  	s3 =	sld [smem:$0x3FDB];
	s0 =	simm.s32 @p2 $0x1  }
0x17: {  	s4 =	simm.s32 $0x1BF5;
	[smem:$0x3FB3] =	sst s0  }
0x18: {  	s0 =	sld [smem:$0x3F96];
	_ =	swait.ge [sflag:s4], $0x0  }
0x19: {  	s7 =	sld [smem:$0x3F97]  }
0x1a: {  	s8 =	sadd.s32 $0xFFFFE003, lr  }
0x1b: {  	s9 =	sadd.s32 $0xFFFFFEF7, lr;
	s5 =	simm.s32 $0xFFFFFFFF;
	p2 =	slt.u32 s8, $0xFFFFF086  }
0x1c: {  	p1 =	slt.u32 s9, $0xF7A;
	s5 =	simm.s32 @!p2 $0x0  }
0x1d: {  	s5 =	simm.s32 @p1 $0x1;
	p0 =	seq.s32 s7, s2  }
0x1e: {  	s7 =	smul.u32 @!p0 $0xF7A, s2;
	p2 =	seq.s32 @!p0 s5, $0x0  }
0x1f: {  	s9 =	smul.u32 $0xF7A, s1;
	s8 =	simm.s32 @!p0 $0x1BF5;
	p2 =	por !p2, p0  }
0x20: {  	[sflag:s8] =	ssyncset.s32 @!p0 $0xFFFFF086;
	s6 =	sadd.s32 @!p0 s3, s7;
	s7 =	simm.s32 @!p0 $0x108  }
0x21: {  	s3 =	sadd.s32 s3, s9;
	s6 =	sadd.s32 @!p0 $0x88, s6;
	s7 =	simm.s32 @p2 $0x1082  }
0x22: {  	[simem:s7], [sflag:s8] =	dma.local @!p0 [hbm:s6], $0xF7A  }
0x23: {  	s9 =	sor.u32 $0xD0000000, s2;
	s6 =	simm.s32 $0x108;
	_ =	swait.ge @!p0 [sflag:s8], $0x0  }
0x24: {  	s3 =	sadd.s32 $0x88, s3;
	s6 =	simm.s32 @!p1 $0x1082;
	[sflag:s4] =	ssyncset.s32 $0xFFFFF086  }
0x25: {  	[simem:s6], [sflag:s4] =	dma.local [hbm:s3], $0xF7A  }
0x26: {  	[smem:$0x3F97] =	sst s1;
	(tag) =	ssettag s2;
	_ =	strace s9  }
0x27: {  	s1 =	sld [smem:$0x3FA7]  }
0x28: {  	s2 =	sld [smem:$0x3FA8]  }
0x29: {  	s4 =	sld [smem:$0x3FAA]  }
0x2a: {  	p0 =	seq.s32 s5, $0x0;
	s5 =	sld [smem:$0x3FAB]  }
0x2b: {  	s6 =	sld [smem:$0x3FAC]  }
0x2c: {  	s7 =	sld [smem:$0x3FAD]  }
0x2d: {  	s3 =	simm.s32 $0x108;
	s8 =	sld [smem:$0x3FAE]  }
0x2e: {  	s3 =	simm.s32 @!p0 $0x1082;
	s9 =	sld [smem:$0x3FAF]  }
0x2f: {  	lr =	sadd.s32 s0, s3;
	s0 =	sld [smem:$0x3FA6]  }
0x30: {  	s3 =	sld [smem:$0x3FA9]  }
0x31: {  	[smem:$0x3FB2] =	sst s10  }
0x32: {  	s10 =	sld [smem:$0x3FB0];
	_ =	sdelay $0x3  }
0x33: {  	p0 =	seq.s32 s10, $0x1;
	s10 =	sld [smem:$0x3FB2];
	_ =	sdelay $0x3  }
0x34: {  	[smem:$0x3FB2] =	sst s10  }
0x35: {  	s10 =	sld [smem:$0x3FB1];
	_ =	sdelay $0x3  }
0x36: {  	p1 =	seq.s32 s10, $0x1;
	s10 =	sld [smem:$0x3FB2];
	_ =	sdelay $0x3  }
0x37: {  	[smem:$0x3FB2] =	sst s10  }
0x38: {  	s10 =	sld [smem:$0x3FB3]  }
0x39: {  	_ = 	snop;
	(pc) =	sbr.ind lr, $3  }
0x3a: {  	_ = 	snop  }
0x3b: {  	_ = 	snop  }
0x3c: {  	p2 =	seq.s32 s10, $0x1;
	s10 =	sld [smem:$0x3FB2]  }
0x3d: {  	_ =	shalt  }
0x3e: {  	_ =	shalt  }
0x3f: {  	_ =	shalt  }
0x40: {  	_ =	shalt  }
0x41: {  	_ =	shalt  }
0x42: {  	_ =	shalt  }
0x43: {  	_ =	shalt  }
0x44: {  	_ =	shalt  }
0x45: {  	_ =	shalt  }
0x46: {  	_ =	shalt  }
0x47: {  	_ =	shalt  }
0x48: {  	_ =	shalt  }
0x49: {  	_ =	shalt  }
0x4a: {  	_ =	shalt  }
0x4b: {  	_ =	shalt  }
0x4c: {  	_ =	shalt  }
0x4d: {  	_ =	shalt  }
0x4e: {  	_ =	shalt  }
0x4f: {  	_ =	shalt  }
0x50: {  	_ =	shalt  }
0x51: {  	_ =	shalt  }
0x52: {  	_ =	shalt  }
0x53: {  	_ =	shalt  }
0x54: {  	_ =	shalt  }
0x55: {  	_ =	shalt  }
0x56: {  	_ =	shalt  }
0x57: {  	_ =	shalt  }
0x58: {  	_ =	shalt  }
0x59: {  	_ =	shalt  }
0x5a: {  	_ =	shalt  }
0x5b: {  	_ =	shalt  }
0x5c: {  	_ =	shalt  }
0x5d: {  	_ =	shalt  }
0x5e: {  	_ =	shalt  }
0x5f: {  	_ =	shalt  }
0x60: {  	_ =	shalt  }
0x61: {  	_ =	shalt  }
0x62: {  	_ =	shalt  }
0x63: {  	_ =	shalt  }
0x64: {  	_ =	shalt  }
0x65: {  	_ =	shalt  }
0x66: {  	_ =	shalt  }
0x67: {  	_ =	shalt  }
0x68: {  	_ =	shalt  }
0x69: {  	_ =	shalt  }
0x6a: {  	_ =	shalt  }
0x6b: {  	_ =	shalt  }
0x6c: {  	_ =	shalt  }
0x6d: {  	_ =	shalt  }
0x6e: {  	_ =	shalt  }
0x6f: {  	_ =	shalt  }
0x70: {  	_ =	shalt  }
0x71: {  	_ =	shalt  }
0x72: {  	_ =	shalt  }
0x73: {  	_ =	shalt  }
0x74: {  	_ =	shalt  }
0x75: {  	_ =	shalt  }
0x76: {  	_ =	shalt  }
0x77: {  	_ =	shalt  }
0x78: {  	_ =	shalt  }
0x79: {  	_ =	shalt  }
0x7a: {  	_ =	shalt  }
0x7b: {  	_ =	shalt  }
0x7c: {  	_ =	shalt  }
0x7d: {  	_ =	shalt  }
0x7e: {  	_ =	shalt  }
0x7f: {  	_ =	shalt  }
0x80: {  	_ =	shalt  }
0x81: {  	_ =	shalt  }
0x82: {  	_ =	shalt  }
0x83: {  	_ =	shalt  }
0x84: {  	_ =	shalt  }
0x85: {  	_ =	shalt  }
0x86: {  	_ =	shalt  }
0x87: {  	_ =	shalt  }
.Lfunc_end0:
.L_simem_size_0:
called_computation_lowered:
.L_overlay_start_0:
0x88: {  	s2 =	sld [smem:$0x3FD9]  }
0x89: {  	s3 =	sld [smem:$0x3FFE];
	_ =	sdelay $0x1  }
0x8a: {  	s1 =	srdreg.scid  }
0x8b: {  	s0 =	sand.u32 $0x1, s1  }
0x8c: {  	s15 =	sshll.u32 s0, $0xA;
	s2 =	sadd.s32 s3, s2  }
0x8d: {  	s2 =	sadd.s32 s2, s15  }
0x8e: {  	[smem:$0x3FBE] =	sst s2  }
0x8f: {  	_ = 	snop  }
0x90: {  	s2 =	sld [smem:$0x3FD0];
	_ =	sdelay $0x2  }
0x91: {  	s16 =	simm.s32 $0xB;
	s4 =	simm.s32 $0x10  }
0x92: {  	[smem:s4], [sflag:s16] =	dma.local [hbm:s2], $0x1  }
0x93: {  	_ =	swait.eq [sflag:s16], $0x1  }
0x94: {  	[sflag:s16] =	ssyncset.done $0x0  }
0x95: {  	[sflag:s16] =	ssyncadd.s32 $0xFFFFFFFF  }
0x96: {  	s17 =	sld [smem:$0x11];
	(tm) =	ssettm $0x1  }
0x97: {  	s18 =	sld [smem:$0x3FFB];
	_ =	sdelay $0x3  }
0x98: {  	_ =	strace s18  }
0x99: {  	s2 =	sld [smem:$0x3FFC];
	_ =	sdelay $0x3  }
0x9a: {  	_ =	strace s2  }
0x9b: {  	s2 =	sld [smem:$0x3FFD];
	_ =	sdelay $0x3  }
0x9c: {  	_ =	strace s2  }
0x9d: {  	_ =	strace $0x8FFFFFFF  }
0x9e: {  	s19 =	sld [smem:$0x3FDB];
	_ =	sdelay $0x1  }
0x9f: {  	s20 =	simm.s32 $_scs_section_size  }
0xa0: {  	s5 =	simm.s32 $_size__tile_overlayer_lowered;
	s6 =	simm.s32 $_tile_overlayer_lowered  }
0xa1: {  	s7 =	simm.s32 $0x1BFF;
	s21 =	sshll.u32 s6, $0x1;
	s4 =	sadd.s32 s20, s19  }
0xa2: {  	s22 =	simm.s32 $0x0;
	s5 =	sshll.u32 s5, $0x1;
	s6 =	sadd.s32 s21, s4  }
0xa3: {  	[timem:s22], [sflag:s7] =	dma.local [hbm:s6], s5  }
0xa4: {  	_ =	swait.ge [sflag:s7], s5  }
0xa5: {  	s5 =	ssub.s32 $0x0, s5;
	[sflag:s7] =	ssyncset.done $0x0  }
0xa6: {  	[sflag:s7] =	ssyncadd.s32 s5;
	_ =	sdelay $0x1  }
0xa7: {  	s23 =	simm.s32 $0x1B8B  }
0xa8: {  	_ =	swait.ge [sflag:s23], $0x1  }
0xa9: {  	[sflag:s23] =	ssyncset.done $0x0  }
0xaa: {  	[sflag:s23] =	ssyncadd.s32 $0xFFFFFFFF  }
0xab: {  	s5 =	sld [smem:$0x0]  }
0xac: {  	s6 =	sand.u32 $0xFFFFFFFE, s1  }
0xad: {  	p0 =	sne.s32 s1, s6  }
0xae: {  	s6 =	sshll.u32 @p0 s6, $0xE  }
0xaf: {  	s6 =	sadd.s32 @p0 $0x11B8D, s6;
	s7 =	sshll.u32 @p0 s5, $0x11  }
0xb0: {  	s6 =	sor.u32 @p0 s7, s6  }
0xb1: {  	[sflag:s6] =	ssyncadd.remote.s32 @p0 $0x1;
	_ =	sdelay $0x1  }
0xb2: {  	s6 =	simm.s32 @p0 $0x1B8D  }
0xb3: {  	_ =	swait.eq @p0 [sflag:s6], $0x1  }
0xb4: {  	[sflag:s6] =	ssyncadd.s32 @p0 $0xFFFFFFFF  }
0xb5: {  	s7 =	sshll.u32 @!p0 s1, $0xE  }
0xb6: {  	s7 =	sor.u32 @!p0 $0x4000, s7;
	s6 =	simm.s32 @!p0 $0x1B8D  }
0xb7: {  	s5 =	sshll.u32 @!p0 s5, $0x11;
	s7 =	sadd.s32 @!p0 $0x11B8D, s7;
	_ =	swait.eq @!p0 [sflag:s6], $0x1  }
0xb8: {  	s5 =	sor.u32 @!p0 s5, s7;
	[sflag:s6] =	ssyncadd.s32 @!p0 $0xFFFFFFFF  }
0xb9: {  	s25 =	simm.s32 $0x1B8E;
	s24 =	sld [smem:$0x3FFE];
	[sflag:s5] =	ssyncadd.remote.s32 @!p0 $0x1  }
0xba: {  	s26 =	simm.s32 $execute0_lowered;
	[smem:$0x3FD2] =	sst s25  }
0xbb: {  	s6 =	sshll.u32 s26, $0x1;
	_ =	strace $0x80000049;
	[dreg:$0x1] =	wrdreg $0xFFFFFFFF  }
0xbc: {  	s28 =	simm.s32 $_size_execute0_lowered;
	s4 =	sadd.s32 s4, s6;
	[dreg:$0x0] =	wrdreg $0x0  }
0xbd: {  	s6 =	sshll.u32 s28, $0x1;
	[dreg:$0x2] =	wrdreg s4  }
0xbe: {  	[dreg:$0x3] =	wrdreg s6  }
0xbf: {  	[dreg:$0x4] =	wrdreg $0xC0  }
0xc0: {  	_ =	task [dreg:s22], $0x5FFFF  }
0xc1: {  	[dreg:$0x1] =	wrdreg $0xFFFFFFFF  }
0xc2: {  	[dreg:$0x0] =	wrdreg $0x60  }
0xc3: {  	[dreg:$0x2] =	wrdreg s24  }
0xc4: {  	[dreg:$0x3] =	wrdreg s17  }
0xc5: {  	[dreg:$0x4] =	wrdreg $0x9  }
0xc6: {  	_ =	task.clear_ibuf [dreg:s22], $0x5FFFF;
	_ =	strace $0x90000049  }
0xc7: {  	s29 =	simm.s32 $0x9;
	_ =	strace $0x8000004B  }
0xc8: {  	_ =	swait.ge [sflag:s29], $0x1  }
0xc9: {  	[sflag:s29] =	ssyncadd.s32 $0xFFFFFFFF  }
0xca: {  	_ =	strace $0x9000004B  }
0xcb: {  	_ =	sfence  }
0xcc: {  	s30 =	sld [smem:$0x0];
	_ =	sdelay $0x2  }
0xcd: {  	s31 =	sshll.u32 s1, $0xD;
	s1 =	sshrl.u32 s1, $0x2  }
0xce: {  	s4 =	sand.u32 $0x4000, s31;
	s1 =	sadd.s32 s1, s30  }
0xcf: {  	s0 =	sor.u32 s4, s0;
	s1 =	sshll.u32 s1, $0x11  }
0xd0: {  	s0 =	sor.u32 s1, s0  }
0xd1: {  	s0 =	sadd.s32 $0x8F2B, s0  }
0xd2: {  	[sflag:s0] =	ssyncadd.remote.s32 $0x1  }
0xd3: {  	_ =	sfence.sel $0xFFFF  }
0xd4: {  	[dreg:$0x0] =	wrdreg $0xFFFFFFFF;
	(pc) =	sbr.abs _section_cstart, $3  }
0xd5: {  	[dreg:$0x1] =	wrdreg $0xFFFFFFFF  }
0xd6: {  	_ =	task.clear_ibuf [dreg:s22], $0x2FFFF;
	_ =	strace $0x9FFFFFFF  }
0xd7: {  	(tm) =	ssettm $0x7FFFFFFF  }
tec
execute0_lowered:
.L_overlay_start_1:
0x0: {  	(tag) =	ssettag $0x1  }
0x1: {  	s6 =	rddreg [dreg:$0x0]  }
0x2: {  	s1 =	rddreg [dreg:$0x1]  }
0x3: {  	s2 =	srdreg.scid;
	s3 =	simm.s32 $0x0;
	s0 =	stileid.u32  }
0x4: {  	s17 =	simm.s32 $0x80;
	s18 =	simm.s32 $0x400;
	s19 =	simm.s32 $0x9E00  }
0x5: {  	s20 =	simm.s32 $0x4;
	s21 =	simm.s32 $0x13A00;
	s22 =	simm.s32 $0x11300  }
0x6: {  	s23 =	simm.s32 $0x3;
	s24 =	simm.s32 $0x0;
	s7 =	sand.u32 $0x1, s2  }
0x7: {  	[smem:$0x7FF] =	sst s3;
	s5 =	sadd.s32 $0x15DC00, s6;
	s4 =	sshll.u32 s7, $0x4  }
0x8: {  	s9 =	sadd.s32 $0x2400, s6;
	s10 =	sadd.s32 $0xC200, s6;
	s14 =	sor.u32 s0, s4  }
0x9: {  	s12 =	sshll.u32 s0, $0x4;
	s7 =	ssub.s32 $0x2, s7;
	s8 =	smul.u32 $0x4E, s14  }
0xa: {  	_ =	strace $0x8000004A;
	s4 =	sadd.s32 $0x158C00, s6;
	s30 =	sshrl.u32 s7, $0x1  }
.Ltmp0:
0xb: {  	s13 =	ssub.s32 s7, s30;
	s11 =	sadd.s32 $0x4, s8;
	(pc) =	sbr.rel .LBB2_1-.Ltmp0, $4  }
0xc: {  	p0 =	sgt.u32 s14, $0x3;
	s14 =	simm.s32 $0x5;
	s31 =	sshll.u32 s11, $0x4  }
0xd: {  	s8 =	sadd.s32 s9, s12;
	s6 =	sadd.s32 s9, s31;
	s7 =	sadd.s32 s10, s31  }
0xe: {  	s9 =	sadd.s32 s10, s12;
	s10 =	sshll.u32 s11, $0xA;
	s11 =	sshll.u32 s11, $0x7  }
0xf: {  	s13 =	smax.u32 s13, $0x1;
	s12 =	sshll.u32 s0, $0xA;
	s11 =	sadd.s32 s5, s11  }
.LBB2_9:
0x10: {  	s24 =	sadd.s32 $0x1, s24  }
0x11: {  	_ =	swait.ge [sflag:s23], $0x2700;
	p1 =	sne.s32 s24, s13  }
.Ltmp1:
0x12: {  	[sflag:s23] =	ssyncset.done $0x0;
	(pc) =	sbr.rel @!p1 .LBB2_10-.Ltmp1, $4  }
0x13: {  	[sflag:s23] =	ssyncadd.s32 $0xFFFFD900  }
0x14: {  	_ =	swait.ge [sflag:s20], $0x2700  }
0x15: {  	[sflag:s20] =	ssyncset.done $0x0  }
0x16: {  	[sflag:s20] =	ssyncadd.s32 $0xFFFFD900  }
.LBB2_1:
0x17: {  	[tilespmem:s3], [sflag:$0x5] =	stream.linear.gather [hbm4b:s6+s3], $0x2700, $0x38;
	[tilespmem:$0x13A80] =	vst v63  }
0x18: {  	_ =	swait.ge [sflag:s14], $0x2700  }
0x19: {  	[sflag:s14] =	ssyncset.done $0x0  }
0x1a: {  	s0 =	simm.s32 $0x2700;
	[sflag:s14] =	ssyncadd.s32 $0xFFFFD900  }
0x1b: {  	[tilespmem:s0], [sflag:$0x5] =	stream.linear.gather [hbm4b:s7+s3], $0x2700, $0x38;
	[tilespmem:$0x13A80] =	vst v63  }
0x1c: {  	_ =	swait.ge [sflag:s14], $0x2700  }
0x1d: {  	[sflag:s14] =	ssyncset.done $0x0  }
0x1e: {  	s25 =	simm.s32 @!p0 $0x0;
	s26 =	simm.s32 @!p0 $0x4E00;
	[sflag:s14] =	ssyncadd.s32 $0xFFFFD900  }
0x1f: {  	[tilespmem:s26], [sflag:$0x5] =	stream.linear.gather @!p0 [hbm4b:s8+s25], $0x80, $0x38;
	[tilespmem:$0x13A80] =	vst v63  }
0x20: {  	s26 =	simm.s32 @!p0 $0x5  }
0x21: {  	_ =	swait.ge @!p0 [sflag:s26], $0x80  }
0x22: {  	[sflag:s26] =	ssyncset.done @!p0 $0x0  }
0x23: {  	s28 =	simm.s32 @!p0 $0x4E80;
	[sflag:s26] =	ssyncadd.s32 @!p0 $0xFFFFFF80  }
0x24: {  	[tilespmem:s28], [sflag:$0x5] =	stream.linear.gather @!p0 [hbm4b:s9+s25], $0x80, $0x38;
	[tilespmem:$0x13A80] =	vst v63  }
0x25: {  	_ =	swait.ge @!p0 [sflag:s26], $0x80  }
.Ltmp2:
0x26: {  	[sflag:s26] =	ssyncset.done @!p0 $0x0;
	(pc) =	sbr.rel .LBB2_2-.Ltmp2, $4  }
0x27: {  	s31 =	simm.s32 $0x4F00;
	[sflag:s26] =	ssyncadd.s32 @!p0 $0xFFFFFF80  }
0x28: {  	[tilespmem:s31], [sflag:$0x1] =	stream.linear.gather [hbm4b:s4+s3], $0x2780, $0x38;
	[tilespmem:$0x13A80] =	vst v63  }
0x29: {  	s25 =	simm.s32 $0x0  }
0x2a: {  	[tilespmem:s19], [sflag:$0x2] =	stream.strided.gather [hbm4b:s11+s17], $0x2700, s18, s17, $0x38;
	[tilespmem:$0x13A80] =	vst v63  }
.LBB2_7:
0x2b: {  	s0 =	sadd.s32 s10, s28  }
0x2c: {  	s0 =	sor.u32 s29, s0  }
0x2d: {  	s2 =	simm.s32 @!p1 $0x400;
	s15 =	simm.s32 @!p1 $0xEC00;
	s0 =	sshrl.u32 s0, $0x3  }
0x2e: {  	p2 =	seq.s32 @!p1 s26, $0x0;
	s28 =	sadd.s32 s1, s0;
	s0 =	simm.s32 @!p1 $0x80  }
0x2f: {  	[hbm4b:s28+s0] =	stream.strided.scatter @!p1 [tilespmem:s15], [sflag:$0x3], $0x2700, s2, s0, $0x38;
	[tilespmem:$0x13A80] =	vst v63  }
0x30: {  	p1 =	por p1, !p2  }
0x31: {  	[hbm4b:s28+s17] =	stream.strided.scatter @p1 [tilespmem:s22], [sflag:$0x4], $0x2700, s18, s17, $0x38;
	[tilespmem:$0x13A80] =	vst v63  }
.LBB2_8:
0x32: {  	s25 =	sadd.s32 $0x1, s25  }
0x33: {  	p1 =	sne.s32 s25, $0x4E0  }
.Ltmp3:
0x34: {  	_ = 	snop;
	(pc) =	sbr.rel @!p1 .LBB2_9-.Ltmp3, $1  }
0x35: {  	_ =	sdelay $0x3  }
.LBB2_2:
0x36: {  	s26 =	sand.u32 $0xFFFE, s25  }
0x37: {  	s26 =	sshrl.u32 s26, $0x1  }
0x38: {  	s26 =	smul.u32 $0x6907, s26;
	_ =	sdelay $0x1  }
0x39: {  	s28 =	sshrl.u32 s26, $0x14  }
0x3a: {  	s26 =	smul.u32 $0x4E, s28;
	_ =	sdelay $0x1  }
0x3b: {  	s30 =	ssub.s32 s25, s26  }
0x3c: {  	s29 =	sand.u32 $0xFFFF, s30  }
0x3d: {  	p1 =	sne.s32 s29, $0x0  }
0x3e: {  	p2 =	sgt.u32 @!p1 s25, $0x491  }
0x3f: {  	s26 =	sand.u32 $0x1, s28;
	s31 =	simm.s32 @!p1 $0x1;
	p3 =	por p2, p1  }
0x40: {  	_ =	swait.ge @!p1 [sflag:s31], $0x2780;
	s0 =	sxor.u32 @!p3 $0x1, s26  }
0x41: {  	[sflag:s31] =	ssyncset.done @!p1 $0x0;
	s2 =	sadd.s32 @!p3 $0x1, s28;
	s15 =	smul.u32 @!p3 $0x9E00, s0  }
0x42: {  	[sflag:s31] =	ssyncadd.s32 @!p1 $0xFFFFD880;
	s31 =	simm.s32 @!p1 $0x2;
	s16 =	smul.u32 @!p3 $0x4F0, s2  }
0x43: {  	_ =	swait.ge @!p1 [sflag:s31], $0x2700  }
0x44: {  	[sflag:s31] =	ssyncset.done @!p1 $0x0;
	s15 =	sshrl.u32 @!p3 s15, $0x2;
	s16 =	sadd.s32 @!p3 s4, s16  }
0x45: {  	[sflag:s31] =	ssyncadd.s32 @!p1 $0xFFFFD900;
	s15 =	sadd.s32 @!p3 $0x4F00, s15;
	s31 =	simm.s32 @!p3 $0x0  }
0x46: {  	[tilespmem:s15], [sflag:$0x1] =	stream.linear.gather @!p3 [hbm4b:s16+s31], $0x2780, $0x38;
	[tilespmem:$0x13A80] =	vst v63  }
0x47: {  	s15 =	sshrl.u32 @!p3 s2, $0x3  }
0x48: {  	s15 =	smul.u32 @!p3 $0x271000, s15  }
0x49: {  	s0 =	smul.u32 @!p3 $0x9C00, s0;
	s2 =	sshll.u32 @!p3 s2, $0x7  }
0x4a: {  	s2 =	sand.u32 @!p3 $0x380, s2;
	s15 =	sadd.s32 @!p3 s10, s15  }
0x4b: {  	s0 =	sshrl.u32 @!p3 s0, $0x2;
	s2 =	sor.u32 @!p3 s2, s15  }
0x4c: {  	s0 =	sadd.s32 @!p3 $0x9E00, s0;
	s2 =	sshrl.u32 @!p3 s2, $0x3  }
0x4d: {  	s16 =	simm.s32 @!p3 $0x400;
	s15 =	simm.s32 @!p3 $0x80;
	s2 =	sadd.s32 @!p3 s5, s2  }
0x4e: {  	[tilespmem:s0], [sflag:$0x2] =	stream.strided.gather @!p3 [hbm4b:s2+s15], $0x2700, s16, s15, $0x38;
	[tilespmem:$0x13A80] =	vst v63  }
0x4f: {  	p3 =	slt.u32 @!p3 s25, $0x9C  }
0x50: {  	p2 =	por @!p1 p2, !p3  }
0x51: {  	p2 =	por p1, !p2  }
.Ltmp4:
0x52: {  	_ = 	snop;
	(pc) =	sbr.rel @p2 .LBB2_4-.Ltmp4, $2  }
0x53: {  	_ =	sdelay $0x2  }
0x54: {  	p1 =	seq.s32 s26, $0x1  }
0x55: {  	s0 =	simm.s32 $0x4  }
0x56: {  	s0 =	simm.s32 @!p1 $0x3  }
0x57: {  	_ =	swait.ge [sflag:s0], $0x2700  }
0x58: {  	[sflag:s0] =	ssyncset.done $0x0  }
0x59: {  	[sflag:s0] =	ssyncadd.s32 $0xFFFFD900  }
.LBB2_4:
0x5a: {  	s0 =	sshll.u32 s30, $0x7  }
0x5b: {  	s0 =	sand.u32 $0xFF80, s0  }
0x5c: {  	v0 =	vld [tilespmem:s0+$0x0];
	_ =	sdelay $0x1  }
0x5d: {  	v1 =	vld [tilespmem:s0+$0x2700];
	_ =	sdelay $0x1  }
0x5e: {  	s2 =	smul.u32 $0x2700, s26  }
0x5f: {  	s15 =	smul.u32 $0x9E00, s26  }
0x60: {  	s31 =	sadd.s32 s0, s2  }
0x61: {  	s30 =	sshrl.u32 s15, $0x2;
	v2 =	vld [tilespmem:s31+$0x9E00]  }
0x62: {  	v0 =	vld.idx.msk [tilespmem:v0+s30+$0x4F00], $0xffff;
	_ =	sdelay $0x1  }
0x63: {  	v1 =	vld.idx.msk [tilespmem:v1+s30+$0x4F00], $0xffff;
	_ =	sdelay $0x2  }
0x64: {  	v0 =	vadd.f32 v0, v2;
	_ =	sdelay $0x1  }
0x65: {  	v0 =	vadd.f32 v1, v0;
	_ =	sdelay $0x1  }
0x66: {  	[tilespmem:s31+$0xEC00] =	vst v0  }
0x67: {  	v0 =	vld [tilespmem:s0+$0x10];
	_ =	sdelay $0x1  }
0x68: {  	v50 =	vld [tilespmem:s0+$0x2710];
	_ =	sdelay $0x4  }
0x69: {  	v51 =	vld [tilespmem:s31+$0x9E10]  }
0x6a: {  	v0 =	vld.idx.msk [tilespmem:v0+s30+$0x4F00], $0xffff;
	_ =	sdelay $0x1  }
0x6b: {  	v1 =	vld.idx.msk [tilespmem:v50+s30+$0x4F00], $0xffff;
	_ =	sdelay $0x2  }
0x6c: {  	v0 =	vadd.f32 v0, v51;
	_ =	sdelay $0x1  }
0x6d: {  	v0 =	vadd.f32 v1, v0;
	_ =	sdelay $0x1  }
0x6e: {  	[tilespmem:s31+$0xEC10] =	vst v0  }
0x6f: {  	v0 =	vld [tilespmem:s0+$0x20];
	_ =	sdelay $0x1  }
0x70: {  	v52 =	vld [tilespmem:s0+$0x2720];
	_ =	sdelay $0x4  }
0x71: {  	v53 =	vld [tilespmem:s31+$0x9E20]  }
0x72: {  	v0 =	vld.idx.msk [tilespmem:v0+s30+$0x4F00], $0xffff;
	_ =	sdelay $0x1  }
0x73: {  	v1 =	vld.idx.msk [tilespmem:v52+s30+$0x4F00], $0xffff;
	_ =	sdelay $0x2  }
0x74: {  	v0 =	vadd.f32 v0, v53;
	_ =	sdelay $0x1  }
0x75: {  	v0 =	vadd.f32 v1, v0;
	_ =	sdelay $0x1  }
0x76: {  	[tilespmem:s31+$0xEC20] =	vst v0  }
0x77: {  	v0 =	vld [tilespmem:s0+$0x30];
	_ =	sdelay $0x1  }
0x78: {  	v54 =	vld [tilespmem:s0+$0x2730];
	_ =	sdelay $0x4  }
0x79: {  	v55 =	vld [tilespmem:s31+$0x9E30]  }
0x7a: {  	v0 =	vld.idx.msk [tilespmem:v0+s30+$0x4F00], $0xffff;
	_ =	sdelay $0x1  }
0x7b: {  	v1 =	vld.idx.msk [tilespmem:v54+s30+$0x4F00], $0xffff;
	_ =	sdelay $0x2  }
0x7c: {  	v0 =	vadd.f32 v0, v55;
	_ =	sdelay $0x1  }
0x7d: {  	v0 =	vadd.f32 v1, v0;
	_ =	sdelay $0x1  }
0x7e: {  	[tilespmem:s31+$0xEC30] =	vst v0  }
0x7f: {  	v0 =	vld [tilespmem:s0+$0x40];
	_ =	sdelay $0x1  }
0x80: {  	v56 =	vld [tilespmem:s0+$0x2740];
	_ =	sdelay $0x4  }
0x81: {  	v57 =	vld [tilespmem:s31+$0x9E40]  }
0x82: {  	v0 =	vld.idx.msk [tilespmem:v0+s30+$0x4F00], $0xffff;
	_ =	sdelay $0x1  }
0x83: {  	v1 =	vld.idx.msk [tilespmem:v56+s30+$0x4F00], $0xffff;
	_ =	sdelay $0x2  }
0x84: {  	v0 =	vadd.f32 v0, v57;
	_ =	sdelay $0x1  }
0x85: {  	v0 =	vadd.f32 v1, v0;
	_ =	sdelay $0x1  }
0x86: {  	[tilespmem:s31+$0xEC40] =	vst v0  }
0x87: {  	v0 =	vld [tilespmem:s0+$0x50];
	_ =	sdelay $0x1  }
0x88: {  	v58 =	vld [tilespmem:s0+$0x2750];
	_ =	sdelay $0x4  }
0x89: {  	v59 =	vld [tilespmem:s31+$0x9E50]  }
0x8a: {  	v0 =	vld.idx.msk [tilespmem:v0+s30+$0x4F00], $0xffff;
	_ =	sdelay $0x1  }
0x8b: {  	v1 =	vld.idx.msk [tilespmem:v58+s30+$0x4F00], $0xffff;
	_ =	sdelay $0x2  }
0x8c: {  	v0 =	vadd.f32 v0, v59;
	_ =	sdelay $0x1  }
0x8d: {  	v0 =	vadd.f32 v1, v0;
	_ =	sdelay $0x1  }
0x8e: {  	[tilespmem:s31+$0xEC50] =	vst v0  }
0x8f: {  	v0 =	vld [tilespmem:s0+$0x60];
	_ =	sdelay $0x1  }
0x90: {  	v60 =	vld [tilespmem:s0+$0x2760];
	_ =	sdelay $0x4  }
0x91: {  	v61 =	vld [tilespmem:s31+$0x9E60]  }
0x92: {  	v0 =	vld.idx.msk [tilespmem:v0+s30+$0x4F00], $0xffff;
	_ =	sdelay $0x1  }
0x93: {  	v1 =	vld.idx.msk [tilespmem:v60+s30+$0x4F00], $0xffff;
	_ =	sdelay $0x2  }
0x94: {  	v0 =	vadd.f32 v0, v61;
	_ =	sdelay $0x1  }
0x95: {  	v0 =	vadd.f32 v1, v0;
	_ =	sdelay $0x1  }
0x96: {  	[tilespmem:s31+$0xEC60] =	vst v0  }
0x97: {  	v0 =	vld [tilespmem:s0+$0x70];
	_ =	sdelay $0x1  }
0x98: {  	v62 =	vld [tilespmem:s0+$0x2770];
	_ =	sdelay $0x4  }
0x99: {  	v63 =	vld [tilespmem:s31+$0x9E70]  }
0x9a: {  	v0 =	vld.idx.msk [tilespmem:v0+s30+$0x4F00], $0xffff;
	_ =	sdelay $0x1  }
0x9b: {  	v1 =	vld.idx.msk [tilespmem:v62+s30+$0x4F00], $0xffff;
	_ =	sdelay $0x1  }
0x9c: {  	p2 =	sne.s32 s29, $0x4D  }
.Ltmp5:
0x9d: {  	v0 =	vadd.f32 v0, v63;
	(pc) =	sbr.rel @p2 .LBB2_8-.Ltmp5, $3  }
0x9e: {  	_ = 	snop  }
0x9f: {  	v0 =	vadd.f32 v1, v0;
	_ =	sdelay $0x1  }
0xa0: {  	[tilespmem:s31+$0xEC70] =	vst v0  }
0xa1: {  	s0 =	sand.u32 $0x7, s28  }
0xa2: {  	p2 =	slt.u32 s25, $0x4E;
	p3 =	sne.s32 s0, $0x0  }
0xa3: {  	p4 =	sgt.u32 s25, $0x26F;
	s2 =	simm.s32 $0x1;
	p2 =	por !p2, !p3  }
.Ltmp6:
0xa4: {  	s15 =	simm.s32 $0x1;
	p2 =	por !p2, !p2;
	(pc) =	sbr.rel @p0 .LBB2_7-.Ltmp6, $4  }
0xa5: {  	s2 =	simm.s32 @!p4 $0x0;
	s15 =	simm.s32 @!p2 $0x0  }
0xa6: {  	s2 =	ssub.s32 s2, s15  }
0xa7: {  	s28 =	smul.u32 $0x271000, s2  }
0xa8: {  	s29 =	sshll.u32 s0, $0x7  }
0xa9: {  	s0 =	sor.u32 s12, s28  }
0xaa: {  	s0 =	sor.u32 s29, s0  }
0xab: {  	s31 =	sshrl.u32 s0, $0x3  }
0xac: {  	s0 =	sadd.s32 s5, s31  }
0xad: {  	[tilespmem:s21], [sflag:$0x5] =	stream.linear.gather [hbm4b:s0+s3], $0x80, $0x38;
	[tilespmem:$0x13A80] =	vst v63  }
0xae: {  	_ =	swait.ge [sflag:s14], $0x80  }
0xaf: {  	[sflag:s14] =	ssyncset.done $0x0  }
0xb0: {  	[sflag:s14] =	ssyncadd.s32 $0xFFFFFF80  }
0xb1: {  	v0 =	vld [tilespmem:$0x4E00];
	_ =	sdelay $0x1  }
0xb2: {  	v1 =	vld [tilespmem:$0x4E80];
	_ =	sdelay $0x4  }
0xb3: {  	s30 =	sadd.s32 $0x4F00, s30;
	v2 =	vld [tilespmem:$0x13A00]  }
0xb4: {  	v0 =	vld.idx.msk [tilespmem:v0+s30+$0x0], $0xffff  }
0xb5: {  	v3 =	vld [tilespmem:$0x4E10]  }
0xb6: {  	v1 =	vld.idx.msk [tilespmem:v1+s30+$0x0], $0xffff;
	_ =	sdelay $0x1  }
0xb7: {  	v4 =	vld [tilespmem:$0x4E90]  }
0xb8: {  	v0 =	vadd.f32 v0, v2;
	_ =	sdelay $0x1  }
0xb9: {  	v0 =	vadd.f32 v1, v0;
	_ =	sdelay $0x1  }
0xba: {  	v31 =	vld [tilespmem:$0x13A10];
	[tilespmem:$0x13A00] =	vst v0  }
0xbb: {  	v32 =	vld.idx.msk [tilespmem:v3+s30+$0x0], $0xffff  }
0xbc: {  	v34 =	vld [tilespmem:$0x4E20]  }
0xbd: {  	v33 =	vld.idx.msk [tilespmem:v4+s30+$0x0], $0xffff;
	_ =	sdelay $0x1  }
0xbe: {  	v35 =	vld [tilespmem:$0x4EA0]  }
0xbf: {  	v0 =	vadd.f32 v32, v31;
	_ =	sdelay $0x1  }
0xc0: {  	v0 =	vadd.f32 v33, v0;
	_ =	sdelay $0x1  }
0xc1: {  	v36 =	vld [tilespmem:$0x13A20];
	[tilespmem:$0x13A10] =	vst v0  }
0xc2: {  	v37 =	vld.idx.msk [tilespmem:v34+s30+$0x0], $0xffff  }
0xc3: {  	v39 =	vld [tilespmem:$0x4E30]  }
0xc4: {  	v38 =	vld.idx.msk [tilespmem:v35+s30+$0x0], $0xffff;
	_ =	sdelay $0x1  }
0xc5: {  	v40 =	vld [tilespmem:$0x4EB0]  }
0xc6: {  	v0 =	vadd.f32 v37, v36;
	_ =	sdelay $0x1  }
0xc7: {  	v0 =	vadd.f32 v38, v0;
	_ =	sdelay $0x1  }
0xc8: {  	v41 =	vld [tilespmem:$0x13A30];
	[tilespmem:$0x13A20] =	vst v0  }
0xc9: {  	v42 =	vld.idx.msk [tilespmem:v39+s30+$0x0], $0xffff  }
0xca: {  	v44 =	vld [tilespmem:$0x4E40]  }
0xcb: {  	v43 =	vld.idx.msk [tilespmem:v40+s30+$0x0], $0xffff;
	_ =	sdelay $0x1  }
0xcc: {  	v45 =	vld [tilespmem:$0x4EC0]  }
0xcd: {  	v0 =	vadd.f32 v42, v41;
	_ =	sdelay $0x1  }
0xce: {  	v0 =	vadd.f32 v43, v0;
	_ =	sdelay $0x1  }
0xcf: {  	v46 =	vld [tilespmem:$0x13A40];
	[tilespmem:$0x13A30] =	vst v0  }
0xd0: {  	v47 =	vld.idx.msk [tilespmem:v44+s30+$0x0], $0xffff  }
0xd1: {  	v49 =	vld [tilespmem:$0x4E50]  }
0xd2: {  	v48 =	vld.idx.msk [tilespmem:v45+s30+$0x0], $0xffff;
	_ =	sdelay $0x1  }
0xd3: {  	v50 =	vld [tilespmem:$0x4ED0]  }
0xd4: {  	v0 =	vadd.f32 v47, v46;
	_ =	sdelay $0x1  }
0xd5: {  	v0 =	vadd.f32 v48, v0;
	_ =	sdelay $0x1  }
0xd6: {  	v51 =	vld [tilespmem:$0x13A50];
	[tilespmem:$0x13A40] =	vst v0  }
0xd7: {  	v52 =	vld.idx.msk [tilespmem:v49+s30+$0x0], $0xffff  }
0xd8: {  	v54 =	vld [tilespmem:$0x4E60]  }
0xd9: {  	v53 =	vld.idx.msk [tilespmem:v50+s30+$0x0], $0xffff;
	_ =	sdelay $0x1  }
0xda: {  	v55 =	vld [tilespmem:$0x4EE0]  }
0xdb: {  	v0 =	vadd.f32 v52, v51;
	_ =	sdelay $0x1  }
0xdc: {  	v0 =	vadd.f32 v53, v0;
	_ =	sdelay $0x1  }
0xdd: {  	v56 =	vld [tilespmem:$0x13A60];
	[tilespmem:$0x13A50] =	vst v0  }
0xde: {  	v57 =	vld.idx.msk [tilespmem:v54+s30+$0x0], $0xffff  }
0xdf: {  	v59 =	vld [tilespmem:$0x4E70]  }
0xe0: {  	v58 =	vld.idx.msk [tilespmem:v55+s30+$0x0], $0xffff;
	_ =	sdelay $0x1  }
0xe1: {  	v60 =	vld [tilespmem:$0x4EF0]  }
0xe2: {  	v0 =	vadd.f32 v57, v56;
	_ =	sdelay $0x1  }
0xe3: {  	v0 =	vadd.f32 v58, v0;
	_ =	sdelay $0x1  }
0xe4: {  	v61 =	vld [tilespmem:$0x13A70];
	[tilespmem:$0x13A60] =	vst v0  }
0xe5: {  	v62 =	vld.idx.msk [tilespmem:v59+s30+$0x0], $0xffff;
	_ =	sdelay $0x1  }
0xe6: {  	v63 =	vld.idx.msk [tilespmem:v60+s30+$0x0], $0xffff;
	_ =	sdelay $0x2  }
0xe7: {  	v0 =	vadd.f32 v62, v61;
	_ =	sdelay $0x1  }
0xe8: {  	v0 =	vadd.f32 v63, v0;
	_ =	sdelay $0x1  }
.Ltmp7:
0xe9: {  	s31 =	sadd.s32 s1, s31;
	[tilespmem:$0x13A70] =	vst v0;
	(pc) =	sbr.rel .LBB2_7-.Ltmp7, $4  }
0xea: {  	[hbm4b:s31+s3] =	stream.linear.scatter [tilespmem:s21], [sflag:$0x5], $0x80, $0x38;
	[tilespmem:$0x13A80] =	vst v63  }
0xeb: {  	_ =	swait.ge [sflag:s14], $0x80  }
0xec: {  	[sflag:s14] =	ssyncset.done $0x0  }
0xed: {  	[sflag:s14] =	ssyncadd.s32 $0xFFFFFF80  }
.LBB2_10:
0xee: {  	_ =	sfence.sel $0x180000  }
0xef: {  	[bflag:$0x0] =	sbarrier.arrive $0xFFFF  }
0xf0: {  	_ =	strace $0x9000004A  }
0xf1: {  	s0 =	stileid.u32;
	[bflag:$0x2] =	sbarrier.arrive $0xFFFF  }
0xf2: {  	p0 =	sne.s32 s0, $0x0;
	s0 =	rddreg [dreg:$0x2]  }
0xf3: {  	s0 =	sadd.s32 @!p0 $0x100000, s0  }
0xf4: {  	[sflag:s0] =	ssyncadd.tile.s32 @!p0 $0x1;
	_ =	shalt  }
.Lfunc_end2:
_tile_overlayer_lowered:
.L_overlay_start_2:
0xf5: {  	(tag) =	ssettag $0x2  }
0xf6: {  	s0 =	rddreg [dreg:$0x0];
	s2 =	stileid.u32  }
0xf7: {  	s1 =	rddreg [dreg:$0x1];
	p0 =	sne.s32 s2, $0x0  }
0xf8: {  	s3 =	rddreg [dreg:$0x2];
	[bflag:$0x3] =	sbarrier.arrive $0xFFFF;
	s2 =	simm.s32 @!p0 $0x1C05  }
0xf9: {  	[timem:s3], [sflag:s2] =	dma.local @!p0 [hbm:s0], s1  }
0xfa: {  	s0 =	simm.s32 @!p0 $0x5  }
0xfb: {  	_ =	swait.ge @!p0 [sflag:s0], s1  }
0xfc: {  	s1 =	ssub.s32 @!p0 $0x0, s1;
	[sflag:s0] =	ssyncset.done @!p0 $0x0  }
0xfd: {  	[sflag:s0] =	ssyncadd.s32 @!p0 s1  }
0xfe: {  	[bflag:$0x3] =	sbarrier.arrive $0xFFFF  }
0xff: {  	_ =	shalt  }

</sc_bundles>
